<compile_context>
chip_gen: v7x
topology: tpu7x:2x2x1
jax: 0.10.2.dev20260603
libtpu: 0.0.44.dev20260713+nightly
codegen_flags: <defaults>
</compile_context>

<pallas_src>
import functools

import jax
import jax.numpy as jnp
from jax import lax
from jax.experimental import pallas as pl
from jax.experimental.pallas import tpu as pltpu
from jax.experimental.pallas import tpu_sc as plsc

N = 10000
E = 320000
D_FEAT = 128
EMBED = 128
N_CLASSES = 18
CPAD = 32

NCORES = 2
NSUB = 16
NW = NCORES * NSUB
CHUNK = 128
CPT = 81
EPT = CHUNK * CPT
EPAD = NW * EPT
EROWS = EPAD // CHUNK
NPAD = 10240
RPT = NPAD // NSUB

RB = 400
NBLK = N // RB

_mesh = plsc.VectorSubcoreMesh(core_axis_name="c", subcore_axis_name="s")


def _make_seg(width):

  @functools.partial(
      pl.kernel,
      mesh=_mesh,
      compiler_params=pltpu.CompilerParams(use_tc_tiling_on_sc=False),
      out_type=jax.ShapeDtypeStruct((NCORES, NPAD, width), jnp.bfloat16),
      scratch_types=[
          pltpu.VMEM((CPT, CHUNK), jnp.int32),
          pltpu.VMEM((CPT, CHUNK), jnp.int32),
          pltpu.VMEM((CHUNK, width), jnp.bfloat16),
          pltpu.VMEM((CHUNK, width), jnp.bfloat16),
          pltpu.VMEM((CHUNK, width), jnp.bfloat16),
          pltpu.SemaphoreType.DMA,
          pltpu.SemaphoreType.DMA,
          pltpu.SemaphoreType.DMA,
          pltpu.SemaphoreType.DMA,
          pltpu.SemaphoreType.DMA,
          pltpu.SemaphoreType.DMA,
          pltpu.VMEM_SHARED((NPAD, width), jnp.bfloat16),
      ],
  )
  def seg(y_hbm, src_hbm, dst_hbm, zero_hbm, out_hbm, idx_s, idx_d,
          d0, d1, d2, g0, g1, g2, s0, s1, s2, acc):
    c = lax.axis_index("c")
    s = lax.axis_index("s")
    w = c * NSUB + s
    pltpu.sync_copy(zero_hbm, acc.at[pl.ds(s * RPT, RPT)])
    pltpu.sync_copy(src_hbm.at[pl.ds(w * CPT, CPT)], idx_s)
    pltpu.sync_copy(dst_hbm.at[pl.ds(w * CPT, CPT)], idx_d)
    plsc.subcore_barrier()

    bufs = (d0, d1, d2)
    gsem = (g0, g1, g2)
    ssem = (s0, s1, s2)

    def gather(j, p):
      return pltpu.make_async_copy(y_hbm.at[idx_s.at[j]], bufs[p], gsem[p])

    def scatter_start(j, p):
      pltpu.async_copy(bufs[p], acc.at[idx_d.at[j]], ssem[p], add=True)

    def scatter_wait(j, p):
      pltpu.make_async_copy(bufs[p], acc.at[idx_d.at[j]], ssem[p]).wait()

    gather(0, 0).start()
    gather(1, 1).start()

    @pl.loop(0, CPT, step=3)
    def _(j):
      for p in range(3):
        jj = j + p
        gather(jj, p).wait()
        scatter_start(jj, p)
        q = (p + 2) % 3

        @pl.when(jj >= 1)
        def _():
          scatter_wait(jj - 1, q)

        @pl.when(jj + 2 < CPT)
        def _():
          gather(jj + 2, q).start()

    scatter_wait(CPT - 1, (CPT - 1) % 3)
    plsc.subcore_barrier()
    pltpu.sync_copy(acc.at[pl.ds(s * RPT, RPT)],
                    out_hbm.at[c, pl.ds(s * RPT, RPT)])

  return seg


_seg128 = _make_seg(EMBED)
_seg32 = _make_seg(CPAD)


@functools.partial(
    pl.kernel,
    mesh=_mesh,
    compiler_params=pltpu.CompilerParams(use_tc_tiling_on_sc=False),
    out_type=jax.ShapeDtypeStruct((NCORES, NPAD, 16), jnp.float32),
    scratch_types=[
        pltpu.VMEM((CPT, CHUNK), jnp.int32),
        pltpu.VMEM((CHUNK, 16), jnp.float32),
        pltpu.VMEM_SHARED((NPAD, 16), jnp.float32),
    ],
)
def _deg(ones_hbm, dst_hbm, zero_hbm, out_hbm, idx_d, ones_v, acc):
  c = lax.axis_index("c")
  s = lax.axis_index("s")
  w = c * NSUB + s
  pltpu.sync_copy(zero_hbm, acc.at[pl.ds(s * RPT, RPT)])
  pltpu.sync_copy(ones_hbm, ones_v)
  pltpu.sync_copy(dst_hbm.at[pl.ds(w * CPT, CPT)], idx_d)
  plsc.subcore_barrier()

  @pl.loop(0, CPT)
  def _(j):
    pltpu.sync_copy(ones_v, acc.at[idx_d.at[j]], add=True)

  plsc.subcore_barrier()
  pltpu.sync_copy(acc.at[pl.ds(s * RPT, RPT)],
                  out_hbm.at[c, pl.ds(s * RPT, RPT)])


def _tc_a(x, W1, degp):
  def body(x_ref, w_ref, d_ref, dis_ref, y_ref):
    deg = d_ref[0] + d_ref[1] + 1.0
    dis = lax.rsqrt(deg)
    dis_ref[...] = dis
    xw = jnp.dot(x_ref[...], w_ref[...], preferred_element_type=jnp.float32)
    y_ref[...] = (xw * dis[:, 0:1]).astype(jnp.bfloat16)

  return pl.pallas_call(
      body,
      grid=(NBLK,),
      in_specs=[
          pl.BlockSpec((RB, D_FEAT), lambda i: (i, 0)),
          pl.BlockSpec((D_FEAT, EMBED), lambda i: (0, 0)),
          pl.BlockSpec((NCORES, RB, 16), lambda i: (0, i, 0)),
      ],
      out_specs=[
          pl.BlockSpec((RB, 16), lambda i: (i, 0)),
          pl.BlockSpec((RB, EMBED), lambda i: (i, 0)),
      ],
      out_shape=[
          jax.ShapeDtypeStruct((N, 16), jnp.float32),
          jax.ShapeDtypeStruct((N, EMBED), jnp.bfloat16),
      ],
  )(x, W1, degp)


def _tc_b(acc1, Y1, dis, b1, W2p):
  def body(a_ref, y1_ref, dis_ref, b1_ref, w2_ref, y2_ref):
    dis0 = dis_ref[:, 0:1]
    agg = (a_ref[0] + a_ref[1] + y1_ref[...]).astype(jnp.float32)
    h = jnp.maximum(agg * dis0 + b1_ref[...], 0.0)
    y2 = jnp.dot(h, w2_ref[...], preferred_element_type=jnp.float32) * dis0
    y2_ref[...] = y2.astype(jnp.bfloat16)

  return pl.pallas_call(
      body,
      grid=(NBLK,),
      in_specs=[
          pl.BlockSpec((NCORES, RB, EMBED), lambda i: (0, i, 0)),
          pl.BlockSpec((RB, EMBED), lambda i: (i, 0)),
          pl.BlockSpec((RB, 16), lambda i: (i, 0)),
          pl.BlockSpec((1, EMBED), lambda i: (0, 0)),
          pl.BlockSpec((EMBED, CPAD), lambda i: (0, 0)),
      ],
      out_specs=pl.BlockSpec((RB, CPAD), lambda i: (i, 0)),
      out_shape=jax.ShapeDtypeStruct((N, CPAD), jnp.bfloat16),
  )(acc1, Y1, dis, b1, W2p)


def _tc_c(acc2, Y2, dis, b2p):
  def body(a_ref, y2_ref, dis_ref, b2_ref, lp_ref, o_ref):
    dis0 = dis_ref[:, 0:1]
    agg = (a_ref[0] + a_ref[1] + y2_ref[...]).astype(jnp.float32)
    o = agg * dis0 + b2_ref[...]
    logits = o[:, :N_CLASSES]
    m = jnp.max(logits, axis=1, keepdims=True)
    lse = jnp.log(jnp.sum(jnp.exp(logits - m), axis=1, keepdims=True)) + m
    o_ref[...] = logits
    lp_ref[...] = logits - lse

  return pl.pallas_call(
      body,
      grid=(NBLK,),
      in_specs=[
          pl.BlockSpec((NCORES, RB, CPAD), lambda i: (0, i, 0)),
          pl.BlockSpec((RB, CPAD), lambda i: (i, 0)),
          pl.BlockSpec((RB, 16), lambda i: (i, 0)),
          pl.BlockSpec((1, CPAD), lambda i: (0, 0)),
      ],
      out_specs=[
          pl.BlockSpec((RB, N_CLASSES), lambda i: (i, 0)),
          pl.BlockSpec((RB, N_CLASSES), lambda i: (i, 0)),
      ],
      out_shape=[
          jax.ShapeDtypeStruct((N, N_CLASSES), jnp.float32),
          jax.ShapeDtypeStruct((N, N_CLASSES), jnp.float32),
      ],
  )(acc2, Y2, dis, b2p)


def kernel(x, edge_index, W1, b1, W2, b2):
  src = edge_index[0]
  dst = edge_index[1]
  pad = EPAD - E
  srcp = jnp.concatenate(
      [src, jnp.zeros((pad,), jnp.int32)]).reshape(EROWS, CHUNK)
  dstp = jnp.concatenate(
      [dst, jnp.full((pad,), N, jnp.int32)]).reshape(EROWS, CHUNK)

  ones16 = jnp.ones((CHUNK, 16), jnp.float32)
  z16 = jnp.zeros((RPT, 16), jnp.float32)
  z128 = jnp.zeros((RPT, EMBED), jnp.bfloat16)
  z32 = jnp.zeros((RPT, CPAD), jnp.bfloat16)

  degp = _deg(ones16, dstp, z16)
  dis, Y1 = _tc_a(x, W1, degp[:, :N, :])
  acc1 = _seg128(Y1, srcp, dstp, z128)[:, :N, :]

  W2p = jnp.pad(W2, ((0, 0), (0, CPAD - N_CLASSES)))
  b2p = jnp.pad(b2, (0, CPAD - N_CLASSES)).reshape(1, CPAD)
  Y2 = _tc_b(acc1, Y1, dis, b1.reshape(1, EMBED), W2p)
  acc2 = _seg32(Y2, srcp, dstp, z32)[:, :N, :]

  logp, out = _tc_c(acc2, Y2, dis, b2p)
  return (logp, out)

# --- scband reference (transcript-rebuilt; emitter-appended) ---
"""Pipeline reference for scband-gcn-55061480735304 (READ-ONLY COPY).

The authoritative reference and input builder live on the scoring server;
editing this copy changes nothing except your own understanding.
"""

import jax, jax.numpy as jnp
import numpy as np

N = 10000
E = 320000
D_FEAT = 128
EMBED = 128
N_CLASSES = 18


def glorot(key, shape):
    scale = jnp.sqrt(6.0 / (shape[0] + shape[1]))
    return jax.random.uniform(key, shape, jnp.float32, -scale, scale)


def setup_inputs(seed: int = 0):
    key = jax.random.key(seed)
    k1, k2, k3, k4 = jax.random.split(key, 4)
    x = jax.random.normal(k1, (N, D_FEAT), jnp.float32)
    edge_index = jax.random.randint(k2, (2, E), 0, N, dtype=jnp.int32)
    W1 = glorot(k3, (D_FEAT, EMBED))
    b1 = jnp.zeros((EMBED,), jnp.float32)
    W2 = glorot(k4, (EMBED, N_CLASSES))
    b2 = jnp.zeros((N_CLASSES,), jnp.float32)
    return {"x": x, "edge_index": edge_index, "W1": W1, "b1": b1, "W2": W2, "b2": b2}


def gcn_conv(x, edge_index, W, b):
    # GCNConv: D^{-1/2} (A + I) D^{-1/2} X W + b
    src = edge_index[0]
    dst = edge_index[1]
    loop = jnp.arange(N, dtype=src.dtype)
    src = jnp.concatenate([src, loop])
    dst = jnp.concatenate([dst, loop])
    deg = jnp.zeros((N,), x.dtype).at[dst].add(1.0)
    deg_inv_sqrt = jnp.where(deg > 0, 1.0 / jnp.sqrt(deg), 0.0)
    norm = deg_inv_sqrt[src] * deg_inv_sqrt[dst]
    xw = x @ W
    msg = xw[src] * norm[:, None]
    out = jnp.zeros((N, W.shape[1]), x.dtype).at[dst].add(msg)
    return out + b


def reference(x, edge_index, W1, b1, W2, b2):
    # eval mode: F.dropout(training=False) is identity
    h = gcn_conv(x, edge_index, W1, b1)
    h = jax.nn.relu(h)
    out = gcn_conv(h, edge_index, W2, b2)
    return (jax.nn.log_softmax(out, axis=1), out)

if __name__ == "__main__":
    import jax
    _d = setup_inputs()
    print(jax.jit(kernel)(*tuple(_d.values())))

</pallas_src>

<mosaic_0001>
#map = affine_map<(d0, d1) -> (0, 0)>
#map1 = affine_map<(d0, d1) -> (0, 0, 0)>
module attributes {stable_mosaic.version = 14 : i64} {
  func.func @seg(%arg0: i32, %arg1: i32, %arg2: memref<10000x32xbf16, #tpu.memory_space<hbm>>, %arg3: memref<2592x128xi32, #tpu.memory_space<hbm>>, %arg4: memref<2592x128xi32, #tpu.memory_space<hbm>>, %arg5: memref<640x32xbf16, #tpu.memory_space<hbm>>, %arg6: memref<2x10240x32xbf16, #tpu.memory_space<hbm>>, %arg7: memref<81x128xi32, #tpu.memory_space<vmem>>, %arg8: memref<81x128xi32, #tpu.memory_space<vmem>>, %arg9: memref<128x32xbf16, #tpu.memory_space<vmem>>, %arg10: memref<128x32xbf16, #tpu.memory_space<vmem>>, %arg11: memref<128x32xbf16, #tpu.memory_space<vmem>>, %arg12: memref<!tpu.dma_semaphore, #tpu.memory_space<semaphore_mem>>, %arg13: memref<!tpu.dma_semaphore, #tpu.memory_space<semaphore_mem>>, %arg14: memref<!tpu.dma_semaphore, #tpu.memory_space<semaphore_mem>>, %arg15: memref<!tpu.dma_semaphore, #tpu.memory_space<semaphore_mem>>, %arg16: memref<!tpu.dma_semaphore, #tpu.memory_space<semaphore_mem>>, %arg17: memref<!tpu.dma_semaphore, #tpu.memory_space<semaphore_mem>>, %arg18: memref<10240x32xbf16, #tpu.memory_space<vmem_shared>>) attributes {dimension_semantics = [#tpu.dimension_semantics<core_parallel>, #tpu.dimension_semantics<subcore_parallel>], iteration_bounds = array<i64: 2, 16>, scalar_prefetch = 0 : i64, scratch_operands = 12 : i64, tpu.core_type = #tpu.core_type<sc_vector_subcore>, window_params = [{transform_indices = #map}, {transform_indices = #map}, {transform_indices = #map}, {transform_indices = #map}, {transform_indices = #map1}]} {
    %mul3A = arith.constant 16 : i32
    %mul3A_0 = arith.muli %arg0, %mul3A : i32
    %add3A = arith.addi %mul3A_0, %arg1 : i32
    %mul3A_1 = arith.constant 640 : i32
    %mul3A_2 = arith.muli %arg1, %mul3A_1 : i32
    "tpu.region"() ({
      %run_scoped3A = tpu.sem_alloc : memref<!tpu.dma_semaphore, #tpu.memory_space<semaphore_mem>>
      %dma_start3A_35 = arith.constant 0 : i32
      %dma_start3A_36 = tpu.memref_slice %arg18[%mul3A_2, %dma_start3A_35] : memref<10240x32xbf16, #tpu.memory_space<vmem_shared>> -> memref<640x32xbf16, #tpu.memory_space<vmem_shared>>
      tpu.enqueue_dma source(%arg5 : memref<640x32xbf16, #tpu.memory_space<hbm>>) target(%dma_start3A_36 : memref<640x32xbf16, #tpu.memory_space<vmem_shared>>) target_semaphore(%run_scoped3A : memref<!tpu.dma_semaphore, #tpu.memory_space<semaphore_mem>>)
      %dma_wait3A_37 = arith.constant 0 : i32
      %dma_wait3A_38 = tpu.memref_slice %arg18[%mul3A_2, %dma_wait3A_37] : memref<10240x32xbf16, #tpu.memory_space<vmem_shared>> -> memref<640x32xbf16, #tpu.memory_space<vmem_shared>>
      tpu.wait_dma2 semaphore(%run_scoped3A : memref<!tpu.dma_semaphore, #tpu.memory_space<semaphore_mem>>) src(%arg5 : memref<640x32xbf16, #tpu.memory_space<hbm>>) dst(%dma_wait3A_38 : memref<640x32xbf16, #tpu.memory_space<vmem_shared>>)
      tpu.yield
    }) : () -> ()
    %mul3A_3 = arith.constant 81 : i32
    %mul3A_4 = arith.muli %add3A, %mul3A_3 : i32
    "tpu.region"() ({
      %run_scoped3A = tpu.sem_alloc : memref<!tpu.dma_semaphore, #tpu.memory_space<semaphore_mem>>
      %dma_start3A_35 = arith.constant 0 : i32
      %dma_start3A_36 = tpu.memref_slice %arg3[%mul3A_4, %dma_start3A_35] : memref<2592x128xi32, #tpu.memory_space<hbm>> -> memref<81x128xi32, #tpu.memory_space<hbm>>
      %dma_start3A_37 = arith.constant 0 : i32
      %dma_start3A_38 = tpu.memref_slice %arg3[%mul3A_4, %dma_start3A_37] : memref<2592x128xi32, #tpu.memory_space<hbm>> -> memref<81x128xi32, #tpu.memory_space<hbm>>
      tpu.enqueue_dma source(%dma_start3A_38 : memref<81x128xi32, #tpu.memory_space<hbm>>) target(%arg7 : memref<81x128xi32, #tpu.memory_space<vmem>>) target_semaphore(%run_scoped3A : memref<!tpu.dma_semaphore, #tpu.memory_space<semaphore_mem>>)
      %dma_wait3A_39 = arith.constant 0 : i32
      %dma_wait3A_40 = tpu.memref_slice %arg3[%mul3A_4, %dma_wait3A_39] : memref<2592x128xi32, #tpu.memory_space<hbm>> -> memref<81x128xi32, #tpu.memory_space<hbm>>
      %dma_wait3A_41 = arith.constant 0 : i32
      %dma_wait3A_42 = tpu.memref_slice %arg3[%mul3A_4, %dma_wait3A_41] : memref<2592x128xi32, #tpu.memory_space<hbm>> -> memref<81x128xi32, #tpu.memory_space<hbm>>
      tpu.wait_dma2 semaphore(%run_scoped3A : memref<!tpu.dma_semaphore, #tpu.memory_space<semaphore_mem>>) src(%dma_wait3A_42 : memref<81x128xi32, #tpu.memory_space<hbm>>) dst(%arg7 : memref<81x128xi32, #tpu.memory_space<vmem>>)
      tpu.yield
    }) : () -> ()
    %mul3A_5 = arith.constant 81 : i32
    %mul3A_6 = arith.muli %add3A, %mul3A_5 : i32
    "tpu.region"() ({
      %run_scoped3A = tpu.sem_alloc : memref<!tpu.dma_semaphore, #tpu.memory_space<semaphore_mem>>
      %dma_start3A_35 = arith.constant 0 : i32
      %dma_start3A_36 = tpu.memref_slice %arg4[%mul3A_6, %dma_start3A_35] : memref<2592x128xi32, #tpu.memory_space<hbm>> -> memref<81x128xi32, #tpu.memory_space<hbm>>
      %dma_start3A_37 = arith.constant 0 : i32
      %dma_start3A_38 = tpu.memref_slice %arg4[%mul3A_6, %dma_start3A_37] : memref<2592x128xi32, #tpu.memory_space<hbm>> -> memref<81x128xi32, #tpu.memory_space<hbm>>
      tpu.enqueue_dma source(%dma_start3A_38 : memref<81x128xi32, #tpu.memory_space<hbm>>) target(%arg8 : memref<81x128xi32, #tpu.memory_space<vmem>>) target_semaphore(%run_scoped3A : memref<!tpu.dma_semaphore, #tpu.memory_space<semaphore_mem>>)
      %dma_wait3A_39 = arith.constant 0 : i32
      %dma_wait3A_40 = tpu.memref_slice %arg4[%mul3A_6, %dma_wait3A_39] : memref<2592x128xi32, #tpu.memory_space<hbm>> -> memref<81x128xi32, #tpu.memory_space<hbm>>
      %dma_wait3A_41 = arith.constant 0 : i32
      %dma_wait3A_42 = tpu.memref_slice %arg4[%mul3A_6, %dma_wait3A_41] : memref<2592x128xi32, #tpu.memory_space<hbm>> -> memref<81x128xi32, #tpu.memory_space<hbm>>
      tpu.wait_dma2 semaphore(%run_scoped3A : memref<!tpu.dma_semaphore, #tpu.memory_space<semaphore_mem>>) src(%dma_wait3A_42 : memref<81x128xi32, #tpu.memory_space<hbm>>) dst(%arg8 : memref<81x128xi32, #tpu.memory_space<vmem>>)
      tpu.yield
    }) : () -> ()
    %barrier3A = arith.constant 0 : index
    tpu.barrier barrier_id(%barrier3A)
    %dma_start3A = arith.constant 0 : i32
    %dma_start3A_7 = arith.constant 0 : i32
    %dma_start3A_8 = tpu.memref_slice %arg7[%dma_start3A, %dma_start3A_7] : memref<81x128xi32, #tpu.memory_space<vmem>> -> memref<1x128xi32, #tpu.memory_space<vmem>>
    %dma_start3A_9 = tpu.memref_squeeze %dma_start3A_8 : memref<1x128xi32, #tpu.memory_space<vmem>> -> memref<128xi32, #tpu.memory_space<vmem>>
    %dma_start3A_10 = arith.constant 0 : i32
    %dma_start3A_11 = arith.constant 0 : i32
    %dma_start3A_12 = tpu.memref_slice %arg2[%dma_start3A_10, %dma_start3A_11] : memref<10000x32xbf16, #tpu.memory_space<hbm>> -> memref<10000x32xbf16, #tpu.memory_space<hbm>>
    tpu.enqueue_indirect_dma source(%dma_start3A_12 : memref<10000x32xbf16, #tpu.memory_space<hbm>>) target(%arg9 : memref<128x32xbf16, #tpu.memory_space<vmem>>) offsets(%dma_start3A_9 : memref<128xi32, #tpu.memory_space<vmem>>) semaphore(%arg12 : memref<!tpu.dma_semaphore, #tpu.memory_space<semaphore_mem>>)
    %dma_start3A_13 = arith.constant 1 : i32
    %dma_start3A_14 = arith.constant 0 : i32
    %dma_start3A_15 = tpu.memref_slice %arg7[%dma_start3A_13, %dma_start3A_14] : memref<81x128xi32, #tpu.memory_space<vmem>> -> memref<1x128xi32, #tpu.memory_space<vmem>>
    %dma_start3A_16 = tpu.memref_squeeze %dma_start3A_15 : memref<1x128xi32, #tpu.memory_space<vmem>> -> memref<128xi32, #tpu.memory_space<vmem>>
    %dma_start3A_17 = arith.constant 0 : i32
    %dma_start3A_18 = arith.constant 0 : i32
    %dma_start3A_19 = tpu.memref_slice %arg2[%dma_start3A_17, %dma_start3A_18] : memref<10000x32xbf16, #tpu.memory_space<hbm>> -> memref<10000x32xbf16, #tpu.memory_space<hbm>>
    tpu.enqueue_indirect_dma source(%dma_start3A_19 : memref<10000x32xbf16, #tpu.memory_space<hbm>>) target(%arg10 : memref<128x32xbf16, #tpu.memory_space<vmem>>) offsets(%dma_start3A_16 : memref<128xi32, #tpu.memory_space<vmem>>) semaphore(%arg13 : memref<!tpu.dma_semaphore, #tpu.memory_space<semaphore_mem>>)
    %scan3A = arith.constant 0 : i32
    %scan3A_20 = arith.constant 27 : i32
    %scan3A_21 = arith.addi %scan3A, %scan3A_20 : i32
    %scan3A_22 = arith.constant 1 : i32
    scf.for %scan3A_35 = %scan3A to %scan3A_21 step %scan3A_22  : i32 {
      %mul3A_36 = arith.constant 3 : i32
      %mul3A_37 = arith.muli %scan3A_35, %mul3A_36 : i32
      %add3A_38 = arith.constant 0 : i32
      %add3A_39 = arith.addi %add3A_38, %mul3A_37 : i32
      %add3A_40 = arith.constant 0 : i32
      %add3A_41 = arith.addi %add3A_39, %add3A_40 : i32
      %dma_wait3A_42 = arith.constant 0 : i32
      %dma_wait3A_43 = tpu.memref_slice %arg7[%add3A_41, %dma_wait3A_42] : memref<81x128xi32, #tpu.memory_space<vmem>> -> memref<1x128xi32, #tpu.memory_space<vmem>>
      %dma_wait3A_44 = tpu.memref_squeeze %dma_wait3A_43 : memref<1x128xi32, #tpu.memory_space<vmem>> -> memref<128xi32, #tpu.memory_space<vmem>>
      %dma_wait3A_45 = arith.constant 0 : i32
      %dma_wait3A_46 = arith.constant 0 : i32
      %dma_wait3A_47 = tpu.memref_slice %arg2[%dma_wait3A_45, %dma_wait3A_46] : memref<10000x32xbf16, #tpu.memory_space<hbm>> -> memref<10000x32xbf16, #tpu.memory_space<hbm>>
      tpu.wait_indirect_dma semaphore(%arg12 : memref<!tpu.dma_semaphore, #tpu.memory_space<semaphore_mem>>) src(%dma_wait3A_47 : memref<10000x32xbf16, #tpu.memory_space<hbm>>) dst(%arg9 : memref<128x32xbf16, #tpu.memory_space<vmem>>)
      %dma_start3A_48 = arith.constant 0 : i32
      %dma_start3A_49 = tpu.memref_slice %arg8[%add3A_41, %dma_start3A_48] : memref<81x128xi32, #tpu.memory_space<vmem>> -> memref<1x128xi32, #tpu.memory_space<vmem>>
      %dma_start3A_50 = tpu.memref_squeeze %dma_start3A_49 : memref<1x128xi32, #tpu.memory_space<vmem>> -> memref<128xi32, #tpu.memory_space<vmem>>
      %dma_start3A_51 = arith.constant 0 : i32
      %dma_start3A_52 = arith.constant 0 : i32
      %dma_start3A_53 = tpu.memref_slice %arg18[%dma_start3A_51, %dma_start3A_52] : memref<10240x32xbf16, #tpu.memory_space<vmem_shared>> -> memref<10240x32xbf16, #tpu.memory_space<vmem_shared>>
      tpu.enqueue_indirect_dma source(%arg9 : memref<128x32xbf16, #tpu.memory_space<vmem>>) target(%dma_start3A_53 : memref<10240x32xbf16, #tpu.memory_space<vmem_shared>>) offsets(%dma_start3A_50 : memref<128xi32, #tpu.memory_space<vmem>>) semaphore(%arg15 : memref<!tpu.dma_semaphore, #tpu.memory_space<semaphore_mem>>) {add = true}
      %ge3A = arith.constant 1 : i32
      %ge3A_54 = arith.cmpi sge, %add3A_41, %ge3A : i32
      %convert_element_type3A = arith.extui %ge3A_54 : i1 to i32
      %cond3A = arith.constant 0 : i32
      %cond3A_55 = arith.cmpi ne, %convert_element_type3A, %cond3A : i32
      scf.if %cond3A_55 {
        %sub3A = arith.constant 1 : i32
        %sub3A_114 = arith.subi %add3A_41, %sub3A : i32
        %dma_wait3A_115 = arith.constant 0 : i32
        %dma_wait3A_116 = tpu.memref_slice %arg8[%sub3A_114, %dma_wait3A_115] : memref<81x128xi32, #tpu.memory_space<vmem>> -> memref<1x128xi32, #tpu.memory_space<vmem>>
        %dma_wait3A_117 = tpu.memref_squeeze %dma_wait3A_116 : memref<1x128xi32, #tpu.memory_space<vmem>> -> memref<128xi32, #tpu.memory_space<vmem>>
        %dma_wait3A_118 = arith.constant 0 : i32
        %dma_wait3A_119 = arith.constant 0 : i32
        %dma_wait3A_120 = tpu.memref_slice %arg18[%dma_wait3A_118, %dma_wait3A_119] : memref<10240x32xbf16, #tpu.memory_space<vmem_shared>> -> memref<10240x32xbf16, #tpu.memory_space<vmem_shared>>
        tpu.wait_indirect_dma semaphore(%arg17 : memref<!tpu.dma_semaphore, #tpu.memory_space<semaphore_mem>>) src(%arg11 : memref<128x32xbf16, #tpu.memory_space<vmem>>) dst(%dma_wait3A_120 : memref<10240x32xbf16, #tpu.memory_space<vmem_shared>>)
      } else {
      }
      %add3A_56 = arith.constant 2 : i32
      %add3A_57 = arith.addi %add3A_41, %add3A_56 : i32
      %lt3A = arith.constant 81 : i32
      %lt3A_58 = arith.cmpi slt, %add3A_57, %lt3A : i32
      %convert_element_type3A_59 = arith.extui %lt3A_58 : i1 to i32
      %cond3A_60 = arith.constant 0 : i32
      %cond3A_61 = arith.cmpi ne, %convert_element_type3A_59, %cond3A_60 : i32
      scf.if %cond3A_61 {
        %add3A_114 = arith.constant 2 : i32
        %add3A_115 = arith.addi %add3A_41, %add3A_114 : i32
        %dma_start3A_116 = arith.constant 0 : i32
        %dma_start3A_117 = tpu.memref_slice %arg7[%add3A_115, %dma_start3A_116] : memref<81x128xi32, #tpu.memory_space<vmem>> -> memref<1x128xi32, #tpu.memory_space<vmem>>
        %dma_start3A_118 = tpu.memref_squeeze %dma_start3A_117 : memref<1x128xi32, #tpu.memory_space<vmem>> -> memref<128xi32, #tpu.memory_space<vmem>>
        %dma_start3A_119 = arith.constant 0 : i32
        %dma_start3A_120 = arith.constant 0 : i32
        %dma_start3A_121 = tpu.memref_slice %arg2[%dma_start3A_119, %dma_start3A_120] : memref<10000x32xbf16, #tpu.memory_space<hbm>> -> memref<10000x32xbf16, #tpu.memory_space<hbm>>
        tpu.enqueue_indirect_dma source(%dma_start3A_121 : memref<10000x32xbf16, #tpu.memory_space<hbm>>) target(%arg11 : memref<128x32xbf16, #tpu.memory_space<vmem>>) offsets(%dma_start3A_118 : memref<128xi32, #tpu.memory_space<vmem>>) semaphore(%arg14 : memref<!tpu.dma_semaphore, #tpu.memory_space<semaphore_mem>>)
      } else {
      }
      %add3A_62 = arith.constant 1 : i32
      %add3A_63 = arith.addi %add3A_39, %add3A_62 : i32
      %dma_wait3A_64 = arith.constant 0 : i32
      %dma_wait3A_65 = tpu.memref_slice %arg7[%add3A_63, %dma_wait3A_64] : memref<81x128xi32, #tpu.memory_space<vmem>> -> memref<1x128xi32, #tpu.memory_space<vmem>>
      %dma_wait3A_66 = tpu.memref_squeeze %dma_wait3A_65 : memref<1x128xi32, #tpu.memory_space<vmem>> -> memref<128xi32, #tpu.memory_space<vmem>>
      %dma_wait3A_67 = arith.constant 0 : i32
      %dma_wait3A_68 = arith.constant 0 : i32
      %dma_wait3A_69 = tpu.memref_slice %arg2[%dma_wait3A_67, %dma_wait3A_68] : memref<10000x32xbf16, #tpu.memory_space<hbm>> -> memref<10000x32xbf16, #tpu.memory_space<hbm>>
      tpu.wait_indirect_dma semaphore(%arg13 : memref<!tpu.dma_semaphore, #tpu.memory_space<semaphore_mem>>) src(%dma_wait3A_69 : memref<10000x32xbf16, #tpu.memory_space<hbm>>) dst(%arg10 : memref<128x32xbf16, #tpu.memory_space<vmem>>)
      %dma_start3A_70 = arith.constant 0 : i32
      %dma_start3A_71 = tpu.memref_slice %arg8[%add3A_63, %dma_start3A_70] : memref<81x128xi32, #tpu.memory_space<vmem>> -> memref<1x128xi32, #tpu.memory_space<vmem>>
      %dma_start3A_72 = tpu.memref_squeeze %dma_start3A_71 : memref<1x128xi32, #tpu.memory_space<vmem>> -> memref<128xi32, #tpu.memory_space<vmem>>
      %dma_start3A_73 = arith.constant 0 : i32
      %dma_start3A_74 = arith.constant 0 : i32
      %dma_start3A_75 = tpu.memref_slice %arg18[%dma_start3A_73, %dma_start3A_74] : memref<10240x32xbf16, #tpu.memory_space<vmem_shared>> -> memref<10240x32xbf16, #tpu.memory_space<vmem_shared>>
      tpu.enqueue_indirect_dma source(%arg10 : memref<128x32xbf16, #tpu.memory_space<vmem>>) target(%dma_start3A_75 : memref<10240x32xbf16, #tpu.memory_space<vmem_shared>>) offsets(%dma_start3A_72 : memref<128xi32, #tpu.memory_space<vmem>>) semaphore(%arg16 : memref<!tpu.dma_semaphore, #tpu.memory_space<semaphore_mem>>) {add = true}
      %ge3A_76 = arith.constant 1 : i32
      %ge3A_77 = arith.cmpi sge, %add3A_63, %ge3A_76 : i32
      %convert_element_type3A_78 = arith.extui %ge3A_77 : i1 to i32
      %cond3A_79 = arith.constant 0 : i32
      %cond3A_80 = arith.cmpi ne, %convert_element_type3A_78, %cond3A_79 : i32
      scf.if %cond3A_80 {
        %sub3A = arith.constant 1 : i32
        %sub3A_114 = arith.subi %add3A_63, %sub3A : i32
        %dma_wait3A_115 = arith.constant 0 : i32
        %dma_wait3A_116 = tpu.memref_slice %arg8[%sub3A_114, %dma_wait3A_115] : memref<81x128xi32, #tpu.memory_space<vmem>> -> memref<1x128xi32, #tpu.memory_space<vmem>>
        %dma_wait3A_117 = tpu.memref_squeeze %dma_wait3A_116 : memref<1x128xi32, #tpu.memory_space<vmem>> -> memref<128xi32, #tpu.memory_space<vmem>>
        %dma_wait3A_118 = arith.constant 0 : i32
        %dma_wait3A_119 = arith.constant 0 : i32
        %dma_wait3A_120 = tpu.memref_slice %arg18[%dma_wait3A_118, %dma_wait3A_119] : memref<10240x32xbf16, #tpu.memory_space<vmem_shared>> -> memref<10240x32xbf16, #tpu.memory_space<vmem_shared>>
        tpu.wait_indirect_dma semaphore(%arg15 : memref<!tpu.dma_semaphore, #tpu.memory_space<semaphore_mem>>) src(%arg9 : memref<128x32xbf16, #tpu.memory_space<vmem>>) dst(%dma_wait3A_120 : memref<10240x32xbf16, #tpu.memory_space<vmem_shared>>)
      } else {
      }
      %add3A_81 = arith.constant 2 : i32
      %add3A_82 = arith.addi %add3A_63, %add3A_81 : i32
      %lt3A_83 = arith.constant 81 : i32
      %lt3A_84 = arith.cmpi slt, %add3A_82, %lt3A_83 : i32
      %convert_element_type3A_85 = arith.extui %lt3A_84 : i1 to i32
      %cond3A_86 = arith.constant 0 : i32
      %cond3A_87 = arith.cmpi ne, %convert_element_type3A_85, %cond3A_86 : i32
      scf.if %cond3A_87 {
        %add3A_114 = arith.constant 2 : i32
        %add3A_115 = arith.addi %add3A_63, %add3A_114 : i32
        %dma_start3A_116 = arith.constant 0 : i32
        %dma_start3A_117 = tpu.memref_slice %arg7[%add3A_115, %dma_start3A_116] : memref<81x128xi32, #tpu.memory_space<vmem>> -> memref<1x128xi32, #tpu.memory_space<vmem>>
        %dma_start3A_118 = tpu.memref_squeeze %dma_start3A_117 : memref<1x128xi32, #tpu.memory_space<vmem>> -> memref<128xi32, #tpu.memory_space<vmem>>
        %dma_start3A_119 = arith.constant 0 : i32
        %dma_start3A_120 = arith.constant 0 : i32
        %dma_start3A_121 = tpu.memref_slice %arg2[%dma_start3A_119, %dma_start3A_120] : memref<10000x32xbf16, #tpu.memory_space<hbm>> -> memref<10000x32xbf16, #tpu.memory_space<hbm>>
        tpu.enqueue_indirect_dma source(%dma_start3A_121 : memref<10000x32xbf16, #tpu.memory_space<hbm>>) target(%arg9 : memref<128x32xbf16, #tpu.memory_space<vmem>>) offsets(%dma_start3A_118 : memref<128xi32, #tpu.memory_space<vmem>>) semaphore(%arg12 : memref<!tpu.dma_semaphore, #tpu.memory_space<semaphore_mem>>)
      } else {
      }
      %add3A_88 = arith.constant 2 : i32
      %add3A_89 = arith.addi %add3A_39, %add3A_88 : i32
      %dma_wait3A_90 = arith.constant 0 : i32
      %dma_wait3A_91 = tpu.memref_slice %arg7[%add3A_89, %dma_wait3A_90] : memref<81x128xi32, #tpu.memory_space<vmem>> -> memref<1x128xi32, #tpu.memory_space<vmem>>
      %dma_wait3A_92 = tpu.memref_squeeze %dma_wait3A_91 : memref<1x128xi32, #tpu.memory_space<vmem>> -> memref<128xi32, #tpu.memory_space<vmem>>
      %dma_wait3A_93 = arith.constant 0 : i32
      %dma_wait3A_94 = arith.constant 0 : i32
      %dma_wait3A_95 = tpu.memref_slice %arg2[%dma_wait3A_93, %dma_wait3A_94] : memref<10000x32xbf16, #tpu.memory_space<hbm>> -> memref<10000x32xbf16, #tpu.memory_space<hbm>>
      tpu.wait_indirect_dma semaphore(%arg14 : memref<!tpu.dma_semaphore, #tpu.memory_space<semaphore_mem>>) src(%dma_wait3A_95 : memref<10000x32xbf16, #tpu.memory_space<hbm>>) dst(%arg11 : memref<128x32xbf16, #tpu.memory_space<vmem>>)
      %dma_start3A_96 = arith.constant 0 : i32
      %dma_start3A_97 = tpu.memref_slice %arg8[%add3A_89, %dma_start3A_96] : memref<81x128xi32, #tpu.memory_space<vmem>> -> memref<1x128xi32, #tpu.memory_space<vmem>>
      %dma_start3A_98 = tpu.memref_squeeze %dma_start3A_97 : memref<1x128xi32, #tpu.memory_space<vmem>> -> memref<128xi32, #tpu.memory_space<vmem>>
      %dma_start3A_99 = arith.constant 0 : i32
      %dma_start3A_100 = arith.constant 0 : i32
      %dma_start3A_101 = tpu.memref_slice %arg18[%dma_start3A_99, %dma_start3A_100] : memref<10240x32xbf16, #tpu.memory_space<vmem_shared>> -> memref<10240x32xbf16, #tpu.memory_space<vmem_shared>>
      tpu.enqueue_indirect_dma source(%arg11 : memref<128x32xbf16, #tpu.memory_space<vmem>>) target(%dma_start3A_101 : memref<10240x32xbf16, #tpu.memory_space<vmem_shared>>) offsets(%dma_start3A_98 : memref<128xi32, #tpu.memory_space<vmem>>) semaphore(%arg17 : memref<!tpu.dma_semaphore, #tpu.memory_space<semaphore_mem>>) {add = true}
      %ge3A_102 = arith.constant 1 : i32
      %ge3A_103 = arith.cmpi sge, %add3A_89, %ge3A_102 : i32
      %convert_element_type3A_104 = arith.extui %ge3A_103 : i1 to i32
      %cond3A_105 = arith.constant 0 : i32
      %cond3A_106 = arith.cmpi ne, %convert_element_type3A_104, %cond3A_105 : i32
      scf.if %cond3A_106 {
        %sub3A = arith.constant 1 : i32
        %sub3A_114 = arith.subi %add3A_89, %sub3A : i32
        %dma_wait3A_115 = arith.constant 0 : i32
        %dma_wait3A_116 = tpu.memref_slice %arg8[%sub3A_114, %dma_wait3A_115] : memref<81x128xi32, #tpu.memory_space<vmem>> -> memref<1x128xi32, #tpu.memory_space<vmem>>
        %dma_wait3A_117 = tpu.memref_squeeze %dma_wait3A_116 : memref<1x128xi32, #tpu.memory_space<vmem>> -> memref<128xi32, #tpu.memory_space<vmem>>
        %dma_wait3A_118 = arith.constant 0 : i32
        %dma_wait3A_119 = arith.constant 0 : i32
        %dma_wait3A_120 = tpu.memref_slice %arg18[%dma_wait3A_118, %dma_wait3A_119] : memref<10240x32xbf16, #tpu.memory_space<vmem_shared>> -> memref<10240x32xbf16, #tpu.memory_space<vmem_shared>>
        tpu.wait_indirect_dma semaphore(%arg16 : memref<!tpu.dma_semaphore, #tpu.memory_space<semaphore_mem>>) src(%arg10 : memref<128x32xbf16, #tpu.memory_space<vmem>>) dst(%dma_wait3A_120 : memref<10240x32xbf16, #tpu.memory_space<vmem_shared>>)
      } else {
      }
      %add3A_107 = arith.constant 2 : i32
      %add3A_108 = arith.addi %add3A_89, %add3A_107 : i32
      %lt3A_109 = arith.constant 81 : i32
      %lt3A_110 = arith.cmpi slt, %add3A_108, %lt3A_109 : i32
      %convert_element_type3A_111 = arith.extui %lt3A_110 : i1 to i32
      %cond3A_112 = arith.constant 0 : i32
      %cond3A_113 = arith.cmpi ne, %convert_element_type3A_111, %cond3A_112 : i32
      scf.if %cond3A_113 {
        %add3A_114 = arith.constant 2 : i32
        %add3A_115 = arith.addi %add3A_89, %add3A_114 : i32
        %dma_start3A_116 = arith.constant 0 : i32
        %dma_start3A_117 = tpu.memref_slice %arg7[%add3A_115, %dma_start3A_116] : memref<81x128xi32, #tpu.memory_space<vmem>> -> memref<1x128xi32, #tpu.memory_space<vmem>>
        %dma_start3A_118 = tpu.memref_squeeze %dma_start3A_117 : memref<1x128xi32, #tpu.memory_space<vmem>> -> memref<128xi32, #tpu.memory_space<vmem>>
        %dma_start3A_119 = arith.constant 0 : i32
        %dma_start3A_120 = arith.constant 0 : i32
        %dma_start3A_121 = tpu.memref_slice %arg2[%dma_start3A_119, %dma_start3A_120] : memref<10000x32xbf16, #tpu.memory_space<hbm>> -> memref<10000x32xbf16, #tpu.memory_space<hbm>>
        tpu.enqueue_indirect_dma source(%dma_start3A_121 : memref<10000x32xbf16, #tpu.memory_space<hbm>>) target(%arg10 : memref<128x32xbf16, #tpu.memory_space<vmem>>) offsets(%dma_start3A_118 : memref<128xi32, #tpu.memory_space<vmem>>) semaphore(%arg13 : memref<!tpu.dma_semaphore, #tpu.memory_space<semaphore_mem>>)
      } else {
      }
    }
    %scan3A_23 = arith.constant 27 : i32
    %dma_wait3A = arith.constant 80 : i32
    %dma_wait3A_24 = arith.constant 0 : i32
    %dma_wait3A_25 = tpu.memref_slice %arg8[%dma_wait3A, %dma_wait3A_24] : memref<81x128xi32, #tpu.memory_space<vmem>> -> memref<1x128xi32, #tpu.memory_space<vmem>>
    %dma_wait3A_26 = tpu.memref_squeeze %dma_wait3A_25 : memref<1x128xi32, #tpu.memory_space<vmem>> -> memref<128xi32, #tpu.memory_space<vmem>>
    %dma_wait3A_27 = arith.constant 0 : i32
    %dma_wait3A_28 = arith.constant 0 : i32
    %dma_wait3A_29 = tpu.memref_slice %arg18[%dma_wait3A_27, %dma_wait3A_28] : memref<10240x32xbf16, #tpu.memory_space<vmem_shared>> -> memref<10240x32xbf16, #tpu.memory_space<vmem_shared>>
    tpu.wait_indirect_dma semaphore(%arg17 : memref<!tpu.dma_semaphore, #tpu.memory_space<semaphore_mem>>) src(%arg11 : memref<128x32xbf16, #tpu.memory_space<vmem>>) dst(%dma_wait3A_29 : memref<10240x32xbf16, #tpu.memory_space<vmem_shared>>)
    %barrier3A_30 = arith.constant 0 : index
    tpu.barrier barrier_id(%barrier3A_30)
    %mul3A_31 = arith.constant 640 : i32
    %mul3A_32 = arith.muli %arg1, %mul3A_31 : i32
    %mul3A_33 = arith.constant 640 : i32
    %mul3A_34 = arith.muli %arg1, %mul3A_33 : i32
    "tpu.region"() ({
      %run_scoped3A = tpu.sem_alloc : memref<!tpu.dma_semaphore, #tpu.memory_space<semaphore_mem>>
      %dma_start3A_35 = arith.constant 0 : i32
      %dma_start3A_36 = tpu.memref_slice %arg6[%arg0, %mul3A_34, %dma_start3A_35] : memref<2x10240x32xbf16, #tpu.memory_space<hbm>> -> memref<1x640x32xbf16, #tpu.memory_space<hbm>>
      %dma_start3A_37 = tpu.memref_squeeze %dma_start3A_36 : memref<1x640x32xbf16, #tpu.memory_space<hbm>> -> memref<640x32xbf16, #tpu.memory_space<hbm>>
      %dma_start3A_38 = arith.constant 0 : i32
      %dma_start3A_39 = tpu.memref_slice %arg18[%mul3A_32, %dma_start3A_38] : memref<10240x32xbf16, #tpu.memory_space<vmem_shared>> -> memref<640x32xbf16, #tpu.memory_space<vmem_shared>>
      tpu.enqueue_dma source(%dma_start3A_39 : memref<640x32xbf16, #tpu.memory_space<vmem_shared>>) target(%dma_start3A_37 : memref<640x32xbf16, #tpu.memory_space<hbm>>) target_semaphore(%run_scoped3A : memref<!tpu.dma_semaphore, #tpu.memory_space<semaphore_mem>>)
      %dma_wait3A_40 = arith.constant 0 : i32
      %dma_wait3A_41 = tpu.memref_slice %arg6[%arg0, %mul3A_34, %dma_wait3A_40] : memref<2x10240x32xbf16, #tpu.memory_space<hbm>> -> memref<1x640x32xbf16, #tpu.memory_space<hbm>>
      %dma_wait3A_42 = tpu.memref_squeeze %dma_wait3A_41 : memref<1x640x32xbf16, #tpu.memory_space<hbm>> -> memref<640x32xbf16, #tpu.memory_space<hbm>>
      %dma_wait3A_43 = arith.constant 0 : i32
      %dma_wait3A_44 = tpu.memref_slice %arg18[%mul3A_32, %dma_wait3A_43] : memref<10240x32xbf16, #tpu.memory_space<vmem_shared>> -> memref<640x32xbf16, #tpu.memory_space<vmem_shared>>
      tpu.wait_dma2 semaphore(%run_scoped3A : memref<!tpu.dma_semaphore, #tpu.memory_space<semaphore_mem>>) src(%dma_wait3A_44 : memref<640x32xbf16, #tpu.memory_space<vmem_shared>>) dst(%dma_wait3A_42 : memref<640x32xbf16, #tpu.memory_space<hbm>>)
      tpu.yield
    }) : () -> ()
    return
  }
}

#map = affine_map<(d0, d1) -> (0, 0)>
#map1 = affine_map<(d0, d1) -> (0, 0, 0)>
module attributes {stable_mosaic.version = 14 : i64} {
  func.func @_deg(%arg0: i32, %arg1: i32, %arg2: memref<128x16xf32, #tpu.memory_space<hbm>>, %arg3: memref<2592x128xi32, #tpu.memory_space<hbm>>, %arg4: memref<640x16xf32, #tpu.memory_space<hbm>>, %arg5: memref<2x10240x16xf32, #tpu.memory_space<hbm>>, %arg6: memref<81x128xi32, #tpu.memory_space<vmem>>, %arg7: memref<128x16xf32, #tpu.memory_space<vmem>>, %arg8: memref<10240x16xf32, #tpu.memory_space<vmem_shared>>) attributes {dimension_semantics = [#tpu.dimension_semantics<core_parallel>, #tpu.dimension_semantics<subcore_parallel>], iteration_bounds = array<i64: 2, 16>, scalar_prefetch = 0 : i64, scratch_operands = 3 : i64, tpu.core_type = #tpu.core_type<sc_vector_subcore>, window_params = [{transform_indices = #map}, {transform_indices = #map}, {transform_indices = #map}, {transform_indices = #map1}]} {
    %mul3A = arith.constant 16 : i32
    %mul3A_0 = arith.muli %arg0, %mul3A : i32
    %add3A = arith.addi %mul3A_0, %arg1 : i32
    %mul3A_1 = arith.constant 640 : i32
    %mul3A_2 = arith.muli %arg1, %mul3A_1 : i32
    "tpu.region"() ({
      %run_scoped3A = tpu.sem_alloc : memref<!tpu.dma_semaphore, #tpu.memory_space<semaphore_mem>>
      %dma_start3A = arith.constant 0 : i32
      %dma_start3A_14 = tpu.memref_slice %arg8[%mul3A_2, %dma_start3A] : memref<10240x16xf32, #tpu.memory_space<vmem_shared>> -> memref<640x16xf32, #tpu.memory_space<vmem_shared>>
      tpu.enqueue_dma source(%arg4 : memref<640x16xf32, #tpu.memory_space<hbm>>) target(%dma_start3A_14 : memref<640x16xf32, #tpu.memory_space<vmem_shared>>) target_semaphore(%run_scoped3A : memref<!tpu.dma_semaphore, #tpu.memory_space<semaphore_mem>>)
      %dma_wait3A = arith.constant 0 : i32
      %dma_wait3A_15 = tpu.memref_slice %arg8[%mul3A_2, %dma_wait3A] : memref<10240x16xf32, #tpu.memory_space<vmem_shared>> -> memref<640x16xf32, #tpu.memory_space<vmem_shared>>
      tpu.wait_dma2 semaphore(%run_scoped3A : memref<!tpu.dma_semaphore, #tpu.memory_space<semaphore_mem>>) src(%arg4 : memref<640x16xf32, #tpu.memory_space<hbm>>) dst(%dma_wait3A_15 : memref<640x16xf32, #tpu.memory_space<vmem_shared>>)
      tpu.yield
    }) : () -> ()
    "tpu.region"() ({
      %run_scoped3A = tpu.sem_alloc : memref<!tpu.dma_semaphore, #tpu.memory_space<semaphore_mem>>
      tpu.enqueue_dma source(%arg2 : memref<128x16xf32, #tpu.memory_space<hbm>>) target(%arg7 : memref<128x16xf32, #tpu.memory_space<vmem>>) target_semaphore(%run_scoped3A : memref<!tpu.dma_semaphore, #tpu.memory_space<semaphore_mem>>)
      tpu.wait_dma2 semaphore(%run_scoped3A : memref<!tpu.dma_semaphore, #tpu.memory_space<semaphore_mem>>) src(%arg2 : memref<128x16xf32, #tpu.memory_space<hbm>>) dst(%arg7 : memref<128x16xf32, #tpu.memory_space<vmem>>)
      tpu.yield
    }) : () -> ()
    %mul3A_3 = arith.constant 81 : i32
    %mul3A_4 = arith.muli %add3A, %mul3A_3 : i32
    "tpu.region"() ({
      %run_scoped3A = tpu.sem_alloc : memref<!tpu.dma_semaphore, #tpu.memory_space<semaphore_mem>>
      %dma_start3A = arith.constant 0 : i32
      %dma_start3A_14 = tpu.memref_slice %arg3[%mul3A_4, %dma_start3A] : memref<2592x128xi32, #tpu.memory_space<hbm>> -> memref<81x128xi32, #tpu.memory_space<hbm>>
      %dma_start3A_15 = arith.constant 0 : i32
      %dma_start3A_16 = tpu.memref_slice %arg3[%mul3A_4, %dma_start3A_15] : memref<2592x128xi32, #tpu.memory_space<hbm>> -> memref<81x128xi32, #tpu.memory_space<hbm>>
      tpu.enqueue_dma source(%dma_start3A_16 : memref<81x128xi32, #tpu.memory_space<hbm>>) target(%arg6 : memref<81x128xi32, #tpu.memory_space<vmem>>) target_semaphore(%run_scoped3A : memref<!tpu.dma_semaphore, #tpu.memory_space<semaphore_mem>>)
      %dma_wait3A = arith.constant 0 : i32
      %dma_wait3A_17 = tpu.memref_slice %arg3[%mul3A_4, %dma_wait3A] : memref<2592x128xi32, #tpu.memory_space<hbm>> -> memref<81x128xi32, #tpu.memory_space<hbm>>
      %dma_wait3A_18 = arith.constant 0 : i32
      %dma_wait3A_19 = tpu.memref_slice %arg3[%mul3A_4, %dma_wait3A_18] : memref<2592x128xi32, #tpu.memory_space<hbm>> -> memref<81x128xi32, #tpu.memory_space<hbm>>
      tpu.wait_dma2 semaphore(%run_scoped3A : memref<!tpu.dma_semaphore, #tpu.memory_space<semaphore_mem>>) src(%dma_wait3A_19 : memref<81x128xi32, #tpu.memory_space<hbm>>) dst(%arg6 : memref<81x128xi32, #tpu.memory_space<vmem>>)
      tpu.yield
    }) : () -> ()
    %barrier3A = arith.constant 0 : index
    tpu.barrier barrier_id(%barrier3A)
    %scan3A = arith.constant 0 : i32
    %scan3A_5 = arith.constant 81 : i32
    %scan3A_6 = arith.addi %scan3A, %scan3A_5 : i32
    %scan3A_7 = arith.constant 1 : i32
    scf.for %scan3A_14 = %scan3A to %scan3A_6 step %scan3A_7  : i32 {
      %mul3A_15 = arith.constant 1 : i32
      %mul3A_16 = arith.muli %scan3A_14, %mul3A_15 : i32
      %add3A_17 = arith.constant 0 : i32
      %add3A_18 = arith.addi %add3A_17, %mul3A_16 : i32
      "tpu.region"() ({
        %run_scoped3A = tpu.sem_alloc : memref<!tpu.dma_semaphore, #tpu.memory_space<semaphore_mem>>
        %dma_start3A = arith.constant 0 : i32
        %dma_start3A_19 = tpu.memref_slice %arg6[%add3A_18, %dma_start3A] : memref<81x128xi32, #tpu.memory_space<vmem>> -> memref<1x128xi32, #tpu.memory_space<vmem>>
        %dma_start3A_20 = tpu.memref_squeeze %dma_start3A_19 : memref<1x128xi32, #tpu.memory_space<vmem>> -> memref<128xi32, #tpu.memory_space<vmem>>
        %dma_start3A_21 = arith.constant 0 : i32
        %dma_start3A_22 = arith.constant 0 : i32
        %dma_start3A_23 = tpu.memref_slice %arg8[%dma_start3A_21, %dma_start3A_22] : memref<10240x16xf32, #tpu.memory_space<vmem_shared>> -> memref<10240x16xf32, #tpu.memory_space<vmem_shared>>
        tpu.enqueue_indirect_dma source(%arg7 : memref<128x16xf32, #tpu.memory_space<vmem>>) target(%dma_start3A_23 : memref<10240x16xf32, #tpu.memory_space<vmem_shared>>) offsets(%dma_start3A_20 : memref<128xi32, #tpu.memory_space<vmem>>) semaphore(%run_scoped3A : memref<!tpu.dma_semaphore, #tpu.memory_space<semaphore_mem>>) {add = true}
        %dma_wait3A = arith.constant 0 : i32
        %dma_wait3A_24 = tpu.memref_slice %arg6[%add3A_18, %dma_wait3A] : memref<81x128xi32, #tpu.memory_space<vmem>> -> memref<1x128xi32, #tpu.memory_space<vmem>>
        %dma_wait3A_25 = tpu.memref_squeeze %dma_wait3A_24 : memref<1x128xi32, #tpu.memory_space<vmem>> -> memref<128xi32, #tpu.memory_space<vmem>>
        %dma_wait3A_26 = arith.constant 0 : i32
        %dma_wait3A_27 = arith.constant 0 : i32
        %dma_wait3A_28 = tpu.memref_slice %arg8[%dma_wait3A_26, %dma_wait3A_27] : memref<10240x16xf32, #tpu.memory_space<vmem_shared>> -> memref<10240x16xf32, #tpu.memory_space<vmem_shared>>
        tpu.wait_indirect_dma semaphore(%run_scoped3A : memref<!tpu.dma_semaphore, #tpu.memory_space<semaphore_mem>>) src(%arg7 : memref<128x16xf32, #tpu.memory_space<vmem>>) dst(%dma_wait3A_28 : memref<10240x16xf32, #tpu.memory_space<vmem_shared>>)
        tpu.yield
      }) : () -> ()
    }
    %scan3A_8 = arith.constant 81 : i32
    %barrier3A_9 = arith.constant 0 : index
    tpu.barrier barrier_id(%barrier3A_9)
    %mul3A_10 = arith.constant 640 : i32
    %mul3A_11 = arith.muli %arg1, %mul3A_10 : i32
    %mul3A_12 = arith.constant 640 : i32
    %mul3A_13 = arith.muli %arg1, %mul3A_12 : i32
    "tpu.region"() ({
      %run_scoped3A = tpu.sem_alloc : memref<!tpu.dma_semaphore, #tpu.memory_space<semaphore_mem>>
      %dma_start3A = arith.constant 0 : i32
      %dma_start3A_14 = tpu.memref_slice %arg5[%arg0, %mul3A_13, %dma_start3A] : memref<2x10240x16xf32, #tpu.memory_space<hbm>> -> memref<1x640x16xf32, #tpu.memory_space<hbm>>
      %dma_start3A_15 = tpu.memref_squeeze %dma_start3A_14 : memref<1x640x16xf32, #tpu.memory_space<hbm>> -> memref<640x16xf32, #tpu.memory_space<hbm>>
      %dma_start3A_16 = arith.constant 0 : i32
      %dma_start3A_17 = tpu.memref_slice %arg8[%mul3A_11, %dma_start3A_16] : memref<10240x16xf32, #tpu.memory_space<vmem_shared>> -> memref<640x16xf32, #tpu.memory_space<vmem_shared>>
      tpu.enqueue_dma source(%dma_start3A_17 : memref<640x16xf32, #tpu.memory_space<vmem_shared>>) target(%dma_start3A_15 : memref<640x16xf32, #tpu.memory_space<hbm>>) target_semaphore(%run_scoped3A : memref<!tpu.dma_semaphore, #tpu.memory_space<semaphore_mem>>)
      %dma_wait3A = arith.constant 0 : i32
      %dma_wait3A_18 = tpu.memref_slice %arg5[%arg0, %mul3A_13, %dma_wait3A] : memref<2x10240x16xf32, #tpu.memory_space<hbm>> -> memref<1x640x16xf32, #tpu.memory_space<hbm>>
      %dma_wait3A_19 = tpu.memref_squeeze %dma_wait3A_18 : memref<1x640x16xf32, #tpu.memory_space<hbm>> -> memref<640x16xf32, #tpu.memory_space<hbm>>
      %dma_wait3A_20 = arith.constant 0 : i32
      %dma_wait3A_21 = tpu.memref_slice %arg8[%mul3A_11, %dma_wait3A_20] : memref<10240x16xf32, #tpu.memory_space<vmem_shared>> -> memref<640x16xf32, #tpu.memory_space<vmem_shared>>
      tpu.wait_dma2 semaphore(%run_scoped3A : memref<!tpu.dma_semaphore, #tpu.memory_space<semaphore_mem>>) src(%dma_wait3A_21 : memref<640x16xf32, #tpu.memory_space<vmem_shared>>) dst(%dma_wait3A_19 : memref<640x16xf32, #tpu.memory_space<hbm>>)
      tpu.yield
    }) : () -> ()
    return
  }
}

#map = affine_map<(d0, d1) -> (0, 0)>
#map1 = affine_map<(d0, d1) -> (0, 0, 0)>
module attributes {stable_mosaic.version = 14 : i64} {
  func.func @seg(%arg0: i32, %arg1: i32, %arg2: memref<10000x128xbf16, #tpu.memory_space<hbm>>, %arg3: memref<2592x128xi32, #tpu.memory_space<hbm>>, %arg4: memref<2592x128xi32, #tpu.memory_space<hbm>>, %arg5: memref<640x128xbf16, #tpu.memory_space<hbm>>, %arg6: memref<2x10240x128xbf16, #tpu.memory_space<hbm>>, %arg7: memref<81x128xi32, #tpu.memory_space<vmem>>, %arg8: memref<81x128xi32, #tpu.memory_space<vmem>>, %arg9: memref<128x128xbf16, #tpu.memory_space<vmem>>, %arg10: memref<128x128xbf16, #tpu.memory_space<vmem>>, %arg11: memref<128x128xbf16, #tpu.memory_space<vmem>>, %arg12: memref<!tpu.dma_semaphore, #tpu.memory_space<semaphore_mem>>, %arg13: memref<!tpu.dma_semaphore, #tpu.memory_space<semaphore_mem>>, %arg14: memref<!tpu.dma_semaphore, #tpu.memory_space<semaphore_mem>>, %arg15: memref<!tpu.dma_semaphore, #tpu.memory_space<semaphore_mem>>, %arg16: memref<!tpu.dma_semaphore, #tpu.memory_space<semaphore_mem>>, %arg17: memref<!tpu.dma_semaphore, #tpu.memory_space<semaphore_mem>>, %arg18: memref<10240x128xbf16, #tpu.memory_space<vmem_shared>>) attributes {dimension_semantics = [#tpu.dimension_semantics<core_parallel>, #tpu.dimension_semantics<subcore_parallel>], iteration_bounds = array<i64: 2, 16>, scalar_prefetch = 0 : i64, scratch_operands = 12 : i64, tpu.core_type = #tpu.core_type<sc_vector_subcore>, window_params = [{transform_indices = #map}, {transform_indices = #map}, {transform_indices = #map}, {transform_indices = #map}, {transform_indices = #map1}]} {
    %mul3A = arith.constant 16 : i32
    %mul3A_0 = arith.muli %arg0, %mul3A : i32
    %add3A = arith.addi %mul3A_0, %arg1 : i32
    %mul3A_1 = arith.constant 640 : i32
    %mul3A_2 = arith.muli %arg1, %mul3A_1 : i32
    "tpu.region"() ({
      %run_scoped3A = tpu.sem_alloc : memref<!tpu.dma_semaphore, #tpu.memory_space<semaphore_mem>>
      %dma_start3A_35 = arith.constant 0 : i32
      %dma_start3A_36 = tpu.memref_slice %arg18[%mul3A_2, %dma_start3A_35] : memref<10240x128xbf16, #tpu.memory_space<vmem_shared>> -> memref<640x128xbf16, #tpu.memory_space<vmem_shared>>
      tpu.enqueue_dma source(%arg5 : memref<640x128xbf16, #tpu.memory_space<hbm>>) target(%dma_start3A_36 : memref<640x128xbf16, #tpu.memory_space<vmem_shared>>) target_semaphore(%run_scoped3A : memref<!tpu.dma_semaphore, #tpu.memory_space<semaphore_mem>>)
      %dma_wait3A_37 = arith.constant 0 : i32
      %dma_wait3A_38 = tpu.memref_slice %arg18[%mul3A_2, %dma_wait3A_37] : memref<10240x128xbf16, #tpu.memory_space<vmem_shared>> -> memref<640x128xbf16, #tpu.memory_space<vmem_shared>>
      tpu.wait_dma2 semaphore(%run_scoped3A : memref<!tpu.dma_semaphore, #tpu.memory_space<semaphore_mem>>) src(%arg5 : memref<640x128xbf16, #tpu.memory_space<hbm>>) dst(%dma_wait3A_38 : memref<640x128xbf16, #tpu.memory_space<vmem_shared>>)
      tpu.yield
    }) : () -> ()
    %mul3A_3 = arith.constant 81 : i32
    %mul3A_4 = arith.muli %add3A, %mul3A_3 : i32
    "tpu.region"() ({
      %run_scoped3A = tpu.sem_alloc : memref<!tpu.dma_semaphore, #tpu.memory_space<semaphore_mem>>
      %dma_start3A_35 = arith.constant 0 : i32
      %dma_start3A_36 = tpu.memref_slice %arg3[%mul3A_4, %dma_start3A_35] : memref<2592x128xi32, #tpu.memory_space<hbm>> -> memref<81x128xi32, #tpu.memory_space<hbm>>
      %dma_start3A_37 = arith.constant 0 : i32
      %dma_start3A_38 = tpu.memref_slice %arg3[%mul3A_4, %dma_start3A_37] : memref<2592x128xi32, #tpu.memory_space<hbm>> -> memref<81x128xi32, #tpu.memory_space<hbm>>
      tpu.enqueue_dma source(%dma_start3A_38 : memref<81x128xi32, #tpu.memory_space<hbm>>) target(%arg7 : memref<81x128xi32, #tpu.memory_space<vmem>>) target_semaphore(%run_scoped3A : memref<!tpu.dma_semaphore, #tpu.memory_space<semaphore_mem>>)
      %dma_wait3A_39 = arith.constant 0 : i32
      %dma_wait3A_40 = tpu.memref_slice %arg3[%mul3A_4, %dma_wait3A_39] : memref<2592x128xi32, #tpu.memory_space<hbm>> -> memref<81x128xi32, #tpu.memory_space<hbm>>
      %dma_wait3A_41 = arith.constant 0 : i32
      %dma_wait3A_42 = tpu.memref_slice %arg3[%mul3A_4, %dma_wait3A_41] : memref<2592x128xi32, #tpu.memory_space<hbm>> -> memref<81x128xi32, #tpu.memory_space<hbm>>
      tpu.wait_dma2 semaphore(%run_scoped3A : memref<!tpu.dma_semaphore, #tpu.memory_space<semaphore_mem>>) src(%dma_wait3A_42 : memref<81x128xi32, #tpu.memory_space<hbm>>) dst(%arg7 : memref<81x128xi32, #tpu.memory_space<vmem>>)
      tpu.yield
    }) : () -> ()
    %mul3A_5 = arith.constant 81 : i32
    %mul3A_6 = arith.muli %add3A, %mul3A_5 : i32
    "tpu.region"() ({
      %run_scoped3A = tpu.sem_alloc : memref<!tpu.dma_semaphore, #tpu.memory_space<semaphore_mem>>
      %dma_start3A_35 = arith.constant 0 : i32
      %dma_start3A_36 = tpu.memref_slice %arg4[%mul3A_6, %dma_start3A_35] : memref<2592x128xi32, #tpu.memory_space<hbm>> -> memref<81x128xi32, #tpu.memory_space<hbm>>
      %dma_start3A_37 = arith.constant 0 : i32
      %dma_start3A_38 = tpu.memref_slice %arg4[%mul3A_6, %dma_start3A_37] : memref<2592x128xi32, #tpu.memory_space<hbm>> -> memref<81x128xi32, #tpu.memory_space<hbm>>
      tpu.enqueue_dma source(%dma_start3A_38 : memref<81x128xi32, #tpu.memory_space<hbm>>) target(%arg8 : memref<81x128xi32, #tpu.memory_space<vmem>>) target_semaphore(%run_scoped3A : memref<!tpu.dma_semaphore, #tpu.memory_space<semaphore_mem>>)
      %dma_wait3A_39 = arith.constant 0 : i32
      %dma_wait3A_40 = tpu.memref_slice %arg4[%mul3A_6, %dma_wait3A_39] : memref<2592x128xi32, #tpu.memory_space<hbm>> -> memref<81x128xi32, #tpu.memory_space<hbm>>
      %dma_wait3A_41 = arith.constant 0 : i32
      %dma_wait3A_42 = tpu.memref_slice %arg4[%mul3A_6, %dma_wait3A_41] : memref<2592x128xi32, #tpu.memory_space<hbm>> -> memref<81x128xi32, #tpu.memory_space<hbm>>
      tpu.wait_dma2 semaphore(%run_scoped3A : memref<!tpu.dma_semaphore, #tpu.memory_space<semaphore_mem>>) src(%dma_wait3A_42 : memref<81x128xi32, #tpu.memory_space<hbm>>) dst(%arg8 : memref<81x128xi32, #tpu.memory_space<vmem>>)
      tpu.yield
    }) : () -> ()
    %barrier3A = arith.constant 0 : index
    tpu.barrier barrier_id(%barrier3A)
    %dma_start3A = arith.constant 0 : i32
    %dma_start3A_7 = arith.constant 0 : i32
    %dma_start3A_8 = tpu.memref_slice %arg7[%dma_start3A, %dma_start3A_7] : memref<81x128xi32, #tpu.memory_space<vmem>> -> memref<1x128xi32, #tpu.memory_space<vmem>>
    %dma_start3A_9 = tpu.memref_squeeze %dma_start3A_8 : memref<1x128xi32, #tpu.memory_space<vmem>> -> memref<128xi32, #tpu.memory_space<vmem>>
    %dma_start3A_10 = arith.constant 0 : i32
    %dma_start3A_11 = arith.constant 0 : i32
    %dma_start3A_12 = tpu.memref_slice %arg2[%dma_start3A_10, %dma_start3A_11] : memref<10000x128xbf16, #tpu.memory_space<hbm>> -> memref<10000x128xbf16, #tpu.memory_space<hbm>>
    tpu.enqueue_indirect_dma source(%dma_start3A_12 : memref<10000x128xbf16, #tpu.memory_space<hbm>>) target(%arg9 : memref<128x128xbf16, #tpu.memory_space<vmem>>) offsets(%dma_start3A_9 : memref<128xi32, #tpu.memory_space<vmem>>) semaphore(%arg12 : memref<!tpu.dma_semaphore, #tpu.memory_space<semaphore_mem>>)
    %dma_start3A_13 = arith.constant 1 : i32
    %dma_start3A_14 = arith.constant 0 : i32
    %dma_start3A_15 = tpu.memref_slice %arg7[%dma_start3A_13, %dma_start3A_14] : memref<81x128xi32, #tpu.memory_space<vmem>> -> memref<1x128xi32, #tpu.memory_space<vmem>>
    %dma_start3A_16 = tpu.memref_squeeze %dma_start3A_15 : memref<1x128xi32, #tpu.memory_space<vmem>> -> memref<128xi32, #tpu.memory_space<vmem>>
    %dma_start3A_17 = arith.constant 0 : i32
    %dma_start3A_18 = arith.constant 0 : i32
    %dma_start3A_19 = tpu.memref_slice %arg2[%dma_start3A_17, %dma_start3A_18] : memref<10000x128xbf16, #tpu.memory_space<hbm>> -> memref<10000x128xbf16, #tpu.memory_space<hbm>>
    tpu.enqueue_indirect_dma source(%dma_start3A_19 : memref<10000x128xbf16, #tpu.memory_space<hbm>>) target(%arg10 : memref<128x128xbf16, #tpu.memory_space<vmem>>) offsets(%dma_start3A_16 : memref<128xi32, #tpu.memory_space<vmem>>) semaphore(%arg13 : memref<!tpu.dma_semaphore, #tpu.memory_space<semaphore_mem>>)
    %scan3A = arith.constant 0 : i32
    %scan3A_20 = arith.constant 27 : i32
    %scan3A_21 = arith.addi %scan3A, %scan3A_20 : i32
    %scan3A_22 = arith.constant 1 : i32
    scf.for %scan3A_35 = %scan3A to %scan3A_21 step %scan3A_22  : i32 {
      %mul3A_36 = arith.constant 3 : i32
      %mul3A_37 = arith.muli %scan3A_35, %mul3A_36 : i32
      %add3A_38 = arith.constant 0 : i32
      %add3A_39 = arith.addi %add3A_38, %mul3A_37 : i32
      %add3A_40 = arith.constant 0 : i32
      %add3A_41 = arith.addi %add3A_39, %add3A_40 : i32
      %dma_wait3A_42 = arith.constant 0 : i32
      %dma_wait3A_43 = tpu.memref_slice %arg7[%add3A_41, %dma_wait3A_42] : memref<81x128xi32, #tpu.memory_space<vmem>> -> memref<1x128xi32, #tpu.memory_space<vmem>>
      %dma_wait3A_44 = tpu.memref_squeeze %dma_wait3A_43 : memref<1x128xi32, #tpu.memory_space<vmem>> -> memref<128xi32, #tpu.memory_space<vmem>>
      %dma_wait3A_45 = arith.constant 0 : i32
      %dma_wait3A_46 = arith.constant 0 : i32
      %dma_wait3A_47 = tpu.memref_slice %arg2[%dma_wait3A_45, %dma_wait3A_46] : memref<10000x128xbf16, #tpu.memory_space<hbm>> -> memref<10000x128xbf16, #tpu.memory_space<hbm>>
      tpu.wait_indirect_dma semaphore(%arg12 : memref<!tpu.dma_semaphore, #tpu.memory_space<semaphore_mem>>) src(%dma_wait3A_47 : memref<10000x128xbf16, #tpu.memory_space<hbm>>) dst(%arg9 : memref<128x128xbf16, #tpu.memory_space<vmem>>)
      %dma_start3A_48 = arith.constant 0 : i32
      %dma_start3A_49 = tpu.memref_slice %arg8[%add3A_41, %dma_start3A_48] : memref<81x128xi32, #tpu.memory_space<vmem>> -> memref<1x128xi32, #tpu.memory_space<vmem>>
      %dma_start3A_50 = tpu.memref_squeeze %dma_start3A_49 : memref<1x128xi32, #tpu.memory_space<vmem>> -> memref<128xi32, #tpu.memory_space<vmem>>
      %dma_start3A_51 = arith.constant 0 : i32
      %dma_start3A_52 = arith.constant 0 : i32
      %dma_start3A_53 = tpu.memref_slice %arg18[%dma_start3A_51, %dma_start3A_52] : memref<10240x128xbf16, #tpu.memory_space<vmem_shared>> -> memref<10240x128xbf16, #tpu.memory_space<vmem_shared>>
      tpu.enqueue_indirect_dma source(%arg9 : memref<128x128xbf16, #tpu.memory_space<vmem>>) target(%dma_start3A_53 : memref<10240x128xbf16, #tpu.memory_space<vmem_shared>>) offsets(%dma_start3A_50 : memref<128xi32, #tpu.memory_space<vmem>>) semaphore(%arg15 : memref<!tpu.dma_semaphore, #tpu.memory_space<semaphore_mem>>) {add = true}
      %ge3A = arith.constant 1 : i32
      %ge3A_54 = arith.cmpi sge, %add3A_41, %ge3A : i32
      %convert_element_type3A = arith.extui %ge3A_54 : i1 to i32
      %cond3A = arith.constant 0 : i32
      %cond3A_55 = arith.cmpi ne, %convert_element_type3A, %cond3A : i32
      scf.if %cond3A_55 {
        %sub3A = arith.constant 1 : i32
        %sub3A_114 = arith.subi %add3A_41, %sub3A : i32
        %dma_wait3A_115 = arith.constant 0 : i32
        %dma_wait3A_116 = tpu.memref_slice %arg8[%sub3A_114, %dma_wait3A_115] : memref<81x128xi32, #tpu.memory_space<vmem>> -> memref<1x128xi32, #tpu.memory_space<vmem>>
        %dma_wait3A_117 = tpu.memref_squeeze %dma_wait3A_116 : memref<1x128xi32, #tpu.memory_space<vmem>> -> memref<128xi32, #tpu.memory_space<vmem>>
        %dma_wait3A_118 = arith.constant 0 : i32
        %dma_wait3A_119 = arith.constant 0 : i32
        %dma_wait3A_120 = tpu.memref_slice %arg18[%dma_wait3A_118, %dma_wait3A_119] : memref<10240x128xbf16, #tpu.memory_space<vmem_shared>> -> memref<10240x128xbf16, #tpu.memory_space<vmem_shared>>
        tpu.wait_indirect_dma semaphore(%arg17 : memref<!tpu.dma_semaphore, #tpu.memory_space<semaphore_mem>>) src(%arg11 : memref<128x128xbf16, #tpu.memory_space<vmem>>) dst(%dma_wait3A_120 : memref<10240x128xbf16, #tpu.memory_space<vmem_shared>>)
      } else {
      }
      %add3A_56 = arith.constant 2 : i32
      %add3A_57 = arith.addi %add3A_41, %add3A_56 : i32
      %lt3A = arith.constant 81 : i32
      %lt3A_58 = arith.cmpi slt, %add3A_57, %lt3A : i32
      %convert_element_type3A_59 = arith.extui %lt3A_58 : i1 to i32
      %cond3A_60 = arith.constant 0 : i32
      %cond3A_61 = arith.cmpi ne, %convert_element_type3A_59, %cond3A_60 : i32
      scf.if %cond3A_61 {
        %add3A_114 = arith.constant 2 : i32
        %add3A_115 = arith.addi %add3A_41, %add3A_114 : i32
        %dma_start3A_116 = arith.constant 0 : i32
        %dma_start3A_117 = tpu.memref_slice %arg7[%add3A_115, %dma_start3A_116] : memref<81x128xi32, #tpu.memory_space<vmem>> -> memref<1x128xi32, #tpu.memory_space<vmem>>
        %dma_start3A_118 = tpu.memref_squeeze %dma_start3A_117 : memref<1x128xi32, #tpu.memory_space<vmem>> -> memref<128xi32, #tpu.memory_space<vmem>>
        %dma_start3A_119 = arith.constant 0 : i32
        %dma_start3A_120 = arith.constant 0 : i32
        %dma_start3A_121 = tpu.memref_slice %arg2[%dma_start3A_119, %dma_start3A_120] : memref<10000x128xbf16, #tpu.memory_space<hbm>> -> memref<10000x128xbf16, #tpu.memory_space<hbm>>
        tpu.enqueue_indirect_dma source(%dma_start3A_121 : memref<10000x128xbf16, #tpu.memory_space<hbm>>) target(%arg11 : memref<128x128xbf16, #tpu.memory_space<vmem>>) offsets(%dma_start3A_118 : memref<128xi32, #tpu.memory_space<vmem>>) semaphore(%arg14 : memref<!tpu.dma_semaphore, #tpu.memory_space<semaphore_mem>>)
      } else {
      }
      %add3A_62 = arith.constant 1 : i32
      %add3A_63 = arith.addi %add3A_39, %add3A_62 : i32
      %dma_wait3A_64 = arith.constant 0 : i32
      %dma_wait3A_65 = tpu.memref_slice %arg7[%add3A_63, %dma_wait3A_64] : memref<81x128xi32, #tpu.memory_space<vmem>> -> memref<1x128xi32, #tpu.memory_space<vmem>>
      %dma_wait3A_66 = tpu.memref_squeeze %dma_wait3A_65 : memref<1x128xi32, #tpu.memory_space<vmem>> -> memref<128xi32, #tpu.memory_space<vmem>>
      %dma_wait3A_67 = arith.constant 0 : i32
      %dma_wait3A_68 = arith.constant 0 : i32
      %dma_wait3A_69 = tpu.memref_slice %arg2[%dma_wait3A_67, %dma_wait3A_68] : memref<10000x128xbf16, #tpu.memory_space<hbm>> -> memref<10000x128xbf16, #tpu.memory_space<hbm>>
      tpu.wait_indirect_dma semaphore(%arg13 : memref<!tpu.dma_semaphore, #tpu.memory_space<semaphore_mem>>) src(%dma_wait3A_69 : memref<10000x128xbf16, #tpu.memory_space<hbm>>) dst(%arg10 : memref<128x128xbf16, #tpu.memory_space<vmem>>)
      %dma_start3A_70 = arith.constant 0 : i32
      %dma_start3A_71 = tpu.memref_slice %arg8[%add3A_63, %dma_start3A_70] : memref<81x128xi32, #tpu.memory_space<vmem>> -> memref<1x128xi32, #tpu.memory_space<vmem>>
      %dma_start3A_72 = tpu.memref_squeeze %dma_start3A_71 : memref<1x128xi32, #tpu.memory_space<vmem>> -> memref<128xi32, #tpu.memory_space<vmem>>
      %dma_start3A_73 = arith.constant 0 : i32
      %dma_start3A_74 = arith.constant 0 : i32
      %dma_start3A_75 = tpu.memref_slice %arg18[%dma_start3A_73, %dma_start3A_74] : memref<10240x128xbf16, #tpu.memory_space<vmem_shared>> -> memref<10240x128xbf16, #tpu.memory_space<vmem_shared>>
      tpu.enqueue_indirect_dma source(%arg10 : memref<128x128xbf16, #tpu.memory_space<vmem>>) target(%dma_start3A_75 : memref<10240x128xbf16, #tpu.memory_space<vmem_shared>>) offsets(%dma_start3A_72 : memref<128xi32, #tpu.memory_space<vmem>>) semaphore(%arg16 : memref<!tpu.dma_semaphore, #tpu.memory_space<semaphore_mem>>) {add = true}
      %ge3A_76 = arith.constant 1 : i32
      %ge3A_77 = arith.cmpi sge, %add3A_63, %ge3A_76 : i32
      %convert_element_type3A_78 = arith.extui %ge3A_77 : i1 to i32
      %cond3A_79 = arith.constant 0 : i32
      %cond3A_80 = arith.cmpi ne, %convert_element_type3A_78, %cond3A_79 : i32
      scf.if %cond3A_80 {
        %sub3A = arith.constant 1 : i32
        %sub3A_114 = arith.subi %add3A_63, %sub3A : i32
        %dma_wait3A_115 = arith.constant 0 : i32
        %dma_wait3A_116 = tpu.memref_slice %arg8[%sub3A_114, %dma_wait3A_115] : memref<81x128xi32, #tpu.memory_space<vmem>> -> memref<1x128xi32, #tpu.memory_space<vmem>>
        %dma_wait3A_117 = tpu.memref_squeeze %dma_wait3A_116 : memref<1x128xi32, #tpu.memory_space<vmem>> -> memref<128xi32, #tpu.memory_space<vmem>>
        %dma_wait3A_118 = arith.constant 0 : i32
        %dma_wait3A_119 = arith.constant 0 : i32
        %dma_wait3A_120 = tpu.memref_slice %arg18[%dma_wait3A_118, %dma_wait3A_119] : memref<10240x128xbf16, #tpu.memory_space<vmem_shared>> -> memref<10240x128xbf16, #tpu.memory_space<vmem_shared>>
        tpu.wait_indirect_dma semaphore(%arg15 : memref<!tpu.dma_semaphore, #tpu.memory_space<semaphore_mem>>) src(%arg9 : memref<128x128xbf16, #tpu.memory_space<vmem>>) dst(%dma_wait3A_120 : memref<10240x128xbf16, #tpu.memory_space<vmem_shared>>)
      } else {
      }
      %add3A_81 = arith.constant 2 : i32
      %add3A_82 = arith.addi %add3A_63, %add3A_81 : i32
      %lt3A_83 = arith.constant 81 : i32
      %lt3A_84 = arith.cmpi slt, %add3A_82, %lt3A_83 : i32
      %convert_element_type3A_85 = arith.extui %lt3A_84 : i1 to i32
      %cond3A_86 = arith.constant 0 : i32
      %cond3A_87 = arith.cmpi ne, %convert_element_type3A_85, %cond3A_86 : i32
      scf.if %cond3A_87 {
        %add3A_114 = arith.constant 2 : i32
        %add3A_115 = arith.addi %add3A_63, %add3A_114 : i32
        %dma_start3A_116 = arith.constant 0 : i32
        %dma_start3A_117 = tpu.memref_slice %arg7[%add3A_115, %dma_start3A_116] : memref<81x128xi32, #tpu.memory_space<vmem>> -> memref<1x128xi32, #tpu.memory_space<vmem>>
        %dma_start3A_118 = tpu.memref_squeeze %dma_start3A_117 : memref<1x128xi32, #tpu.memory_space<vmem>> -> memref<128xi32, #tpu.memory_space<vmem>>
        %dma_start3A_119 = arith.constant 0 : i32
        %dma_start3A_120 = arith.constant 0 : i32
        %dma_start3A_121 = tpu.memref_slice %arg2[%dma_start3A_119, %dma_start3A_120] : memref<10000x128xbf16, #tpu.memory_space<hbm>> -> memref<10000x128xbf16, #tpu.memory_space<hbm>>
        tpu.enqueue_indirect_dma source(%dma_start3A_121 : memref<10000x128xbf16, #tpu.memory_space<hbm>>) target(%arg9 : memref<128x128xbf16, #tpu.memory_space<vmem>>) offsets(%dma_start3A_118 : memref<128xi32, #tpu.memory_space<vmem>>) semaphore(%arg12 : memref<!tpu.dma_semaphore, #tpu.memory_space<semaphore_mem>>)
      } else {
      }
      %add3A_88 = arith.constant 2 : i32
      %add3A_89 = arith.addi %add3A_39, %add3A_88 : i32
      %dma_wait3A_90 = arith.constant 0 : i32
      %dma_wait3A_91 = tpu.memref_slice %arg7[%add3A_89, %dma_wait3A_90] : memref<81x128xi32, #tpu.memory_space<vmem>> -> memref<1x128xi32, #tpu.memory_space<vmem>>
      %dma_wait3A_92 = tpu.memref_squeeze %dma_wait3A_91 : memref<1x128xi32, #tpu.memory_space<vmem>> -> memref<128xi32, #tpu.memory_space<vmem>>
      %dma_wait3A_93 = arith.constant 0 : i32
      %dma_wait3A_94 = arith.constant 0 : i32
      %dma_wait3A_95 = tpu.memref_slice %arg2[%dma_wait3A_93, %dma_wait3A_94] : memref<10000x128xbf16, #tpu.memory_space<hbm>> -> memref<10000x128xbf16, #tpu.memory_space<hbm>>
      tpu.wait_indirect_dma semaphore(%arg14 : memref<!tpu.dma_semaphore, #tpu.memory_space<semaphore_mem>>) src(%dma_wait3A_95 : memref<10000x128xbf16, #tpu.memory_space<hbm>>) dst(%arg11 : memref<128x128xbf16, #tpu.memory_space<vmem>>)
      %dma_start3A_96 = arith.constant 0 : i32
      %dma_start3A_97 = tpu.memref_slice %arg8[%add3A_89, %dma_start3A_96] : memref<81x128xi32, #tpu.memory_space<vmem>> -> memref<1x128xi32, #tpu.memory_space<vmem>>
      %dma_start3A_98 = tpu.memref_squeeze %dma_start3A_97 : memref<1x128xi32, #tpu.memory_space<vmem>> -> memref<128xi32, #tpu.memory_space<vmem>>
      %dma_start3A_99 = arith.constant 0 : i32
      %dma_start3A_100 = arith.constant 0 : i32
      %dma_start3A_101 = tpu.memref_slice %arg18[%dma_start3A_99, %dma_start3A_100] : memref<10240x128xbf16, #tpu.memory_space<vmem_shared>> -> memref<10240x128xbf16, #tpu.memory_space<vmem_shared>>
      tpu.enqueue_indirect_dma source(%arg11 : memref<128x128xbf16, #tpu.memory_space<vmem>>) target(%dma_start3A_101 : memref<10240x128xbf16, #tpu.memory_space<vmem_shared>>) offsets(%dma_start3A_98 : memref<128xi32, #tpu.memory_space<vmem>>) semaphore(%arg17 : memref<!tpu.dma_semaphore, #tpu.memory_space<semaphore_mem>>) {add = true}
      %ge3A_102 = arith.constant 1 : i32
      %ge3A_103 = arith.cmpi sge, %add3A_89, %ge3A_102 : i32
      %convert_element_type3A_104 = arith.extui %ge3A_103 : i1 to i32
      %cond3A_105 = arith.constant 0 : i32
      %cond3A_106 = arith.cmpi ne, %convert_element_type3A_104, %cond3A_105 : i32
      scf.if %cond3A_106 {
        %sub3A = arith.constant 1 : i32
        %sub3A_114 = arith.subi %add3A_89, %sub3A : i32
        %dma_wait3A_115 = arith.constant 0 : i32
        %dma_wait3A_116 = tpu.memref_slice %arg8[%sub3A_114, %dma_wait3A_115] : memref<81x128xi32, #tpu.memory_space<vmem>> -> memref<1x128xi32, #tpu.memory_space<vmem>>
        %dma_wait3A_117 = tpu.memref_squeeze %dma_wait3A_116 : memref<1x128xi32, #tpu.memory_space<vmem>> -> memref<128xi32, #tpu.memory_space<vmem>>
        %dma_wait3A_118 = arith.constant 0 : i32
        %dma_wait3A_119 = arith.constant 0 : i32
        %dma_wait3A_120 = tpu.memref_slice %arg18[%dma_wait3A_118, %dma_wait3A_119] : memref<10240x128xbf16, #tpu.memory_space<vmem_shared>> -> memref<10240x128xbf16, #tpu.memory_space<vmem_shared>>
        tpu.wait_indirect_dma semaphore(%arg16 : memref<!tpu.dma_semaphore, #tpu.memory_space<semaphore_mem>>) src(%arg10 : memref<128x128xbf16, #tpu.memory_space<vmem>>) dst(%dma_wait3A_120 : memref<10240x128xbf16, #tpu.memory_space<vmem_shared>>)
      } else {
      }
      %add3A_107 = arith.constant 2 : i32
      %add3A_108 = arith.addi %add3A_89, %add3A_107 : i32
      %lt3A_109 = arith.constant 81 : i32
      %lt3A_110 = arith.cmpi slt, %add3A_108, %lt3A_109 : i32
      %convert_element_type3A_111 = arith.extui %lt3A_110 : i1 to i32
      %cond3A_112 = arith.constant 0 : i32
      %cond3A_113 = arith.cmpi ne, %convert_element_type3A_111, %cond3A_112 : i32
      scf.if %cond3A_113 {
        %add3A_114 = arith.constant 2 : i32
        %add3A_115 = arith.addi %add3A_89, %add3A_114 : i32
        %dma_start3A_116 = arith.constant 0 : i32
        %dma_start3A_117 = tpu.memref_slice %arg7[%add3A_115, %dma_start3A_116] : memref<81x128xi32, #tpu.memory_space<vmem>> -> memref<1x128xi32, #tpu.memory_space<vmem>>
        %dma_start3A_118 = tpu.memref_squeeze %dma_start3A_117 : memref<1x128xi32, #tpu.memory_space<vmem>> -> memref<128xi32, #tpu.memory_space<vmem>>
        %dma_start3A_119 = arith.constant 0 : i32
        %dma_start3A_120 = arith.constant 0 : i32
        %dma_start3A_121 = tpu.memref_slice %arg2[%dma_start3A_119, %dma_start3A_120] : memref<10000x128xbf16, #tpu.memory_space<hbm>> -> memref<10000x128xbf16, #tpu.memory_space<hbm>>
        tpu.enqueue_indirect_dma source(%dma_start3A_121 : memref<10000x128xbf16, #tpu.memory_space<hbm>>) target(%arg10 : memref<128x128xbf16, #tpu.memory_space<vmem>>) offsets(%dma_start3A_118 : memref<128xi32, #tpu.memory_space<vmem>>) semaphore(%arg13 : memref<!tpu.dma_semaphore, #tpu.memory_space<semaphore_mem>>)
      } else {
      }
    }
    %scan3A_23 = arith.constant 27 : i32
    %dma_wait3A = arith.constant 80 : i32
    %dma_wait3A_24 = arith.constant 0 : i32
    %dma_wait3A_25 = tpu.memref_slice %arg8[%dma_wait3A, %dma_wait3A_24] : memref<81x128xi32, #tpu.memory_space<vmem>> -> memref<1x128xi32, #tpu.memory_space<vmem>>
    %dma_wait3A_26 = tpu.memref_squeeze %dma_wait3A_25 : memref<1x128xi32, #tpu.memory_space<vmem>> -> memref<128xi32, #tpu.memory_space<vmem>>
    %dma_wait3A_27 = arith.constant 0 : i32
    %dma_wait3A_28 = arith.constant 0 : i32
    %dma_wait3A_29 = tpu.memref_slice %arg18[%dma_wait3A_27, %dma_wait3A_28] : memref<10240x128xbf16, #tpu.memory_space<vmem_shared>> -> memref<10240x128xbf16, #tpu.memory_space<vmem_shared>>
    tpu.wait_indirect_dma semaphore(%arg17 : memref<!tpu.dma_semaphore, #tpu.memory_space<semaphore_mem>>) src(%arg11 : memref<128x128xbf16, #tpu.memory_space<vmem>>) dst(%dma_wait3A_29 : memref<10240x128xbf16, #tpu.memory_space<vmem_shared>>)
    %barrier3A_30 = arith.constant 0 : index
    tpu.barrier barrier_id(%barrier3A_30)
    %mul3A_31 = arith.constant 640 : i32
    %mul3A_32 = arith.muli %arg1, %mul3A_31 : i32
    %mul3A_33 = arith.constant 640 : i32
    %mul3A_34 = arith.muli %arg1, %mul3A_33 : i32
    "tpu.region"() ({
      %run_scoped3A = tpu.sem_alloc : memref<!tpu.dma_semaphore, #tpu.memory_space<semaphore_mem>>
      %dma_start3A_35 = arith.constant 0 : i32
      %dma_start3A_36 = tpu.memref_slice %arg6[%arg0, %mul3A_34, %dma_start3A_35] : memref<2x10240x128xbf16, #tpu.memory_space<hbm>> -> memref<1x640x128xbf16, #tpu.memory_space<hbm>>
      %dma_start3A_37 = tpu.memref_squeeze %dma_start3A_36 : memref<1x640x128xbf16, #tpu.memory_space<hbm>> -> memref<640x128xbf16, #tpu.memory_space<hbm>>
      %dma_start3A_38 = arith.constant 0 : i32
      %dma_start3A_39 = tpu.memref_slice %arg18[%mul3A_32, %dma_start3A_38] : memref<10240x128xbf16, #tpu.memory_space<vmem_shared>> -> memref<640x128xbf16, #tpu.memory_space<vmem_shared>>
      tpu.enqueue_dma source(%dma_start3A_39 : memref<640x128xbf16, #tpu.memory_space<vmem_shared>>) target(%dma_start3A_37 : memref<640x128xbf16, #tpu.memory_space<hbm>>) target_semaphore(%run_scoped3A : memref<!tpu.dma_semaphore, #tpu.memory_space<semaphore_mem>>)
      %dma_wait3A_40 = arith.constant 0 : i32
      %dma_wait3A_41 = tpu.memref_slice %arg6[%arg0, %mul3A_34, %dma_wait3A_40] : memref<2x10240x128xbf16, #tpu.memory_space<hbm>> -> memref<1x640x128xbf16, #tpu.memory_space<hbm>>
      %dma_wait3A_42 = tpu.memref_squeeze %dma_wait3A_41 : memref<1x640x128xbf16, #tpu.memory_space<hbm>> -> memref<640x128xbf16, #tpu.memory_space<hbm>>
      %dma_wait3A_43 = arith.constant 0 : i32
      %dma_wait3A_44 = tpu.memref_slice %arg18[%mul3A_32, %dma_wait3A_43] : memref<10240x128xbf16, #tpu.memory_space<vmem_shared>> -> memref<640x128xbf16, #tpu.memory_space<vmem_shared>>
      tpu.wait_dma2 semaphore(%run_scoped3A : memref<!tpu.dma_semaphore, #tpu.memory_space<semaphore_mem>>) src(%dma_wait3A_44 : memref<640x128xbf16, #tpu.memory_space<vmem_shared>>) dst(%dma_wait3A_42 : memref<640x128xbf16, #tpu.memory_space<hbm>>)
      tpu.yield
    }) : () -> ()
    return
  }
}

module attributes {stable_mosaic.version = 14 : i64} {
  func.func @body(%arg0: i32, %arg1: memref<400x128xf32, #tpu.memory_space<vmem>>, %arg2: memref<128x128xf32, #tpu.memory_space<vmem>>, %arg3: memref<2x400x16xf32, #tpu.memory_space<vmem>>, %arg4: memref<400x16xf32, #tpu.memory_space<vmem>>, %arg5: memref<400x128xbf16, #tpu.memory_space<vmem>>) attributes {dimension_semantics = [#tpu.dimension_semantics<arbitrary>], iteration_bounds = array<i64: 25>, scalar_prefetch = 0 : i64, scratch_operands = 0 : i64, tpu.core_type = #tpu.core_type<tc>, window_params = [{transform_indices = @transform_0, window_bounds = array<i64: 400, 128>}, {pipeline_mode = #tpu.pipeline_mode<synchronous>, transform_indices = @transform_1, window_bounds = array<i64: 128, 128>}, {transform_indices = @transform_2, window_bounds = array<i64: 2, 400, 16>}, {transform_indices = @transform_3, window_bounds = array<i64: 400, 16>}, {transform_indices = @transform_4, window_bounds = array<i64: 400, 128>}]} {
    %get3A = arith.constant 0 : index
    %get3A_0 = arith.constant 0 : index
    %get3A_1 = arith.constant 0 : index
    %get3A_2 = vector.load %arg3[%get3A, %get3A_0, %get3A_1] : memref<2x400x16xf32, #tpu.memory_space<vmem>>, vector<1x400x16xf32>
    %get3A_3 = vector.shape_cast %get3A_2 : vector<1x400x16xf32> to vector<400x16xf32>
    %get3A_4 = arith.constant 1 : index
    %get3A_5 = arith.constant 0 : index
    %get3A_6 = arith.constant 0 : index
    %get3A_7 = vector.load %arg3[%get3A_4, %get3A_5, %get3A_6] : memref<2x400x16xf32, #tpu.memory_space<vmem>>, vector<1x400x16xf32>
    %get3A_8 = vector.shape_cast %get3A_7 : vector<1x400x16xf32> to vector<400x16xf32>
    %add3A = arith.addf %get3A_3, %get3A_8 : vector<400x16xf32>
    %add3A_9 = arith.constant 1.000000e+00 : f32
    %add3A_10 = vector.broadcast %add3A_9 : f32 to vector<400x16xf32>
    %add3A_11 = arith.addf %add3A, %add3A_10 : vector<400x16xf32>
    %rsqrt3A = math.rsqrt %add3A_11 : vector<400x16xf32>
    %swap3A = arith.constant 0 : index
    %swap3A_12 = arith.constant 0 : index
    %swap3A_13 = vector.load %arg4[%swap3A, %swap3A_12] : memref<400x16xf32, #tpu.memory_space<vmem>>, vector<400x16xf32>
    tpu.vector_store %arg4[%swap3A, %swap3A_12], %rsqrt3A {strides = array<i32>} : memref<400x16xf32, #tpu.memory_space<vmem>>, vector<400x16xf32>,
    %get3A_14 = arith.constant 0 : index
    %get3A_15 = arith.constant 0 : index
    %get3A_16 = vector.load %arg1[%get3A_14, %get3A_15] : memref<400x128xf32, #tpu.memory_space<vmem>>, vector<400x128xf32>
    %get3A_17 = arith.constant 0 : index
    %get3A_18 = arith.constant 0 : index
    %get3A_19 = vector.load %arg2[%get3A_17, %get3A_18] : memref<128x128xf32, #tpu.memory_space<vmem>>, vector<128x128xf32>
    %dot_general3A = arith.constant dense<0.000000e+00> : vector<400x128xf32>
    %dot_general3A_20 = tpu.matmul %get3A_16, %get3A_19, %dot_general3A {dimension_numbers = #tpu.dot_dimension_numbers<[1], [0], [0], [1], [0, 0, 1, 1], [], []>, transpose_lhs_hint = false} : vector<400x128xf32>, vector<128x128xf32>, vector<400x128xf32> -> vector<400x128xf32>
    %slice3A = vector.extract_strided_slice %rsqrt3A {offsets = [0, 0], sizes = [400, 1], strides = [1, 1]} : vector<400x16xf32> to vector<400x1xf32>
    %mul3A = vector.broadcast %slice3A : vector<400x1xf32> to vector<400x128xf32>
    %mul3A_21 = arith.mulf %dot_general3A_20, %mul3A : vector<400x128xf32>
    %convert_element_type3A = arith.truncf %mul3A_21 : vector<400x128xf32> to vector<400x128xbf16>
    %swap3A_22 = arith.constant 0 : index
    %swap3A_23 = arith.constant 0 : index
    %swap3A_24 = vector.load %arg5[%swap3A_22, %swap3A_23] : memref<400x128xbf16, #tpu.memory_space<vmem>>, vector<400x128xbf16>
    tpu.vector_store %arg5[%swap3A_22, %swap3A_23], %convert_element_type3A {strides = array<i32>} : memref<400x128xbf16, #tpu.memory_space<vmem>>, vector<400x128xbf16>,
    return
  }
  func.func @transform_0(%arg0: i32) -> (i32, i32) {
    %c0_i32 = arith.constant 0 : i32
    %c0_i32_0 = arith.constant 0 : i32
    return %arg0, %c0_i32 : i32, i32
  }
  func.func @transform_1(%arg0: i32) -> (i32, i32) {
    %c0_i32 = arith.constant 0 : i32
    %c0_i32_0 = arith.constant 0 : i32
    %c0_i32_1 = arith.constant 0 : i32
    return %c0_i32, %c0_i32_0 : i32, i32
  }
  func.func @transform_2(%arg0: i32) -> (i32, i32, i32) {
    %c0_i32 = arith.constant 0 : i32
    %c0_i32_0 = arith.constant 0 : i32
    %c0_i32_1 = arith.constant 0 : i32
    return %c0_i32, %arg0, %c0_i32_0 : i32, i32, i32
  }
  func.func @transform_3(%arg0: i32) -> (i32, i32) {
    %c0_i32 = arith.constant 0 : i32
    %c0_i32_0 = arith.constant 0 : i32
    return %arg0, %c0_i32 : i32, i32
  }
  func.func @transform_4(%arg0: i32) -> (i32, i32) {
    %c0_i32 = arith.constant 0 : i32
    %c0_i32_0 = arith.constant 0 : i32
    return %arg0, %c0_i32 : i32, i32
  }
}

module attributes {stable_mosaic.version = 14 : i64} {
  func.func @body(%arg0: i32, %arg1: memref<2x400x128xbf16, #tpu.memory_space<vmem>>, %arg2: memref<400x128xbf16, #tpu.memory_space<vmem>>, %arg3: memref<400x16xf32, #tpu.memory_space<vmem>>, %arg4: memref<1x128xf32, #tpu.memory_space<vmem>>, %arg5: memref<128x32xf32, #tpu.memory_space<vmem>>, %arg6: memref<400x32xbf16, #tpu.memory_space<vmem>>) attributes {dimension_semantics = [#tpu.dimension_semantics<arbitrary>], iteration_bounds = array<i64: 25>, scalar_prefetch = 0 : i64, scratch_operands = 0 : i64, tpu.core_type = #tpu.core_type<tc>, window_params = [{transform_indices = @transform_0, window_bounds = array<i64: 2, 400, 128>}, {transform_indices = @transform_1, window_bounds = array<i64: 400, 128>}, {transform_indices = @transform_2, window_bounds = array<i64: 400, 16>}, {pipeline_mode = #tpu.pipeline_mode<synchronous>, transform_indices = @transform_3, window_bounds = array<i64: 1, 128>}, {pipeline_mode = #tpu.pipeline_mode<synchronous>, transform_indices = @transform_4, window_bounds = array<i64: 128, 32>}, {transform_indices = @transform_5, window_bounds = array<i64: 400, 32>}]} {
    %get3A = arith.constant 0 : index
    %get3A_0 = arith.constant 0 : index
    %get3A_1 = vector.load %arg3[%get3A, %get3A_0] : memref<400x16xf32, #tpu.memory_space<vmem>>, vector<400x1xf32>
    %get3A_2 = arith.constant 0 : index
    %get3A_3 = arith.constant 0 : index
    %get3A_4 = arith.constant 0 : index
    %get3A_5 = vector.load %arg1[%get3A_2, %get3A_3, %get3A_4] : memref<2x400x128xbf16, #tpu.memory_space<vmem>>, vector<1x400x128xbf16>
    %get3A_6 = vector.shape_cast %get3A_5 : vector<1x400x128xbf16> to vector<400x128xbf16>
    %get3A_7 = arith.constant 1 : index
    %get3A_8 = arith.constant 0 : index
    %get3A_9 = arith.constant 0 : index
    %get3A_10 = vector.load %arg1[%get3A_7, %get3A_8, %get3A_9] : memref<2x400x128xbf16, #tpu.memory_space<vmem>>, vector<1x400x128xbf16>
    %get3A_11 = vector.shape_cast %get3A_10 : vector<1x400x128xbf16> to vector<400x128xbf16>
    %add3A = arith.addf %get3A_6, %get3A_11 : vector<400x128xbf16>
    %get3A_12 = arith.constant 0 : index
    %get3A_13 = arith.constant 0 : index
    %get3A_14 = vector.load %arg2[%get3A_12, %get3A_13] : memref<400x128xbf16, #tpu.memory_space<vmem>>, vector<400x128xbf16>
    %add3A_15 = arith.addf %add3A, %get3A_14 : vector<400x128xbf16>
    %convert_element_type3A = arith.extf %add3A_15 : vector<400x128xbf16> to vector<400x128xf32>
    %mul3A = vector.broadcast %get3A_1 : vector<400x1xf32> to vector<400x128xf32>
    %mul3A_16 = arith.mulf %convert_element_type3A, %mul3A : vector<400x128xf32>
    %get3A_17 = arith.constant 0 : index
    %get3A_18 = arith.constant 0 : index
    %get3A_19 = vector.load %arg4[%get3A_17, %get3A_18] : memref<1x128xf32, #tpu.memory_space<vmem>>, vector<1x128xf32>
    %add3A_20 = vector.broadcast %get3A_19 : vector<1x128xf32> to vector<400x128xf32>
    %add3A_21 = arith.addf %mul3A_16, %add3A_20 : vector<400x128xf32>
    %max3A = arith.constant 0.000000e+00 : f32
    %max3A_22 = vector.broadcast %max3A : f32 to vector<400x128xf32>
    %max3A_23 = arith.maximumf %add3A_21, %max3A_22 : vector<400x128xf32>
    %get3A_24 = arith.constant 0 : index
    %get3A_25 = arith.constant 0 : index
    %get3A_26 = vector.load %arg5[%get3A_24, %get3A_25] : memref<128x32xf32, #tpu.memory_space<vmem>>, vector<128x32xf32>
    %dot_general3A = arith.constant dense<0.000000e+00> : vector<400x32xf32>
    %dot_general3A_27 = tpu.matmul %max3A_23, %get3A_26, %dot_general3A {dimension_numbers = #tpu.dot_dimension_numbers<[1], [0], [0], [1], [0, 0, 1, 1], [], []>, transpose_lhs_hint = false} : vector<400x128xf32>, vector<128x32xf32>, vector<400x32xf32> -> vector<400x32xf32>
    %mul3A_28 = vector.broadcast %get3A_1 : vector<400x1xf32> to vector<400x32xf32>
    %mul3A_29 = arith.mulf %dot_general3A_27, %mul3A_28 : vector<400x32xf32>
    %convert_element_type3A_30 = arith.truncf %mul3A_29 : vector<400x32xf32> to vector<400x32xbf16>
    %swap3A = arith.constant 0 : index
    %swap3A_31 = arith.constant 0 : index
    %swap3A_32 = vector.load %arg6[%swap3A, %swap3A_31] : memref<400x32xbf16, #tpu.memory_space<vmem>>, vector<400x32xbf16>
    tpu.vector_store %arg6[%swap3A, %swap3A_31], %convert_element_type3A_30 {strides = array<i32>} : memref<400x32xbf16, #tpu.memory_space<vmem>>, vector<400x32xbf16>,
    return
  }
  func.func @transform_0(%arg0: i32) -> (i32, i32, i32) {
    %c0_i32 = arith.constant 0 : i32
    %c0_i32_0 = arith.constant 0 : i32
    %c0_i32_1 = arith.constant 0 : i32
    return %c0_i32, %arg0, %c0_i32_0 : i32, i32, i32
  }
  func.func @transform_1(%arg0: i32) -> (i32, i32) {
    %c0_i32 = arith.constant 0 : i32
    %c0_i32_0 = arith.constant 0 : i32
    return %arg0, %c0_i32 : i32, i32
  }
  func.func @transform_2(%arg0: i32) -> (i32, i32) {
    %c0_i32 = arith.constant 0 : i32
    %c0_i32_0 = arith.constant 0 : i32
    return %arg0, %c0_i32 : i32, i32
  }
  func.func @transform_3(%arg0: i32) -> (i32, i32) {
    %c0_i32 = arith.constant 0 : i32
    %c0_i32_0 = arith.constant 0 : i32
    %c0_i32_1 = arith.constant 0 : i32
    return %c0_i32, %c0_i32_0 : i32, i32
  }
  func.func @transform_4(%arg0: i32) -> (i32, i32) {
    %c0_i32 = arith.constant 0 : i32
    %c0_i32_0 = arith.constant 0 : i32
    %c0_i32_1 = arith.constant 0 : i32
    return %c0_i32, %c0_i32_0 : i32, i32
  }
  func.func @transform_5(%arg0: i32) -> (i32, i32) {
    %c0_i32 = arith.constant 0 : i32
    %c0_i32_0 = arith.constant 0 : i32
    return %arg0, %c0_i32 : i32, i32
  }
}

module attributes {stable_mosaic.version = 14 : i64} {
  func.func @body(%arg0: i32, %arg1: memref<2x400x32xbf16, #tpu.memory_space<vmem>>, %arg2: memref<400x32xbf16, #tpu.memory_space<vmem>>, %arg3: memref<400x16xf32, #tpu.memory_space<vmem>>, %arg4: memref<1x32xf32, #tpu.memory_space<vmem>>, %arg5: memref<400x18xf32, #tpu.memory_space<vmem>>, %arg6: memref<400x18xf32, #tpu.memory_space<vmem>>) attributes {dimension_semantics = [#tpu.dimension_semantics<arbitrary>], iteration_bounds = array<i64: 25>, scalar_prefetch = 0 : i64, scratch_operands = 0 : i64, tpu.core_type = #tpu.core_type<tc>, window_params = [{transform_indices = @transform_0, window_bounds = array<i64: 2, 400, 32>}, {transform_indices = @transform_1, window_bounds = array<i64: 400, 32>}, {transform_indices = @transform_2, window_bounds = array<i64: 400, 16>}, {pipeline_mode = #tpu.pipeline_mode<synchronous>, transform_indices = @transform_3, window_bounds = array<i64: 1, 32>}, {transform_indices = @transform_4, window_bounds = array<i64: 400, 18>}, {transform_indices = @transform_5, window_bounds = array<i64: 400, 18>}]} {
    %get3A = arith.constant 0 : index
    %get3A_0 = arith.constant 0 : index
    %get3A_1 = vector.load %arg3[%get3A, %get3A_0] : memref<400x16xf32, #tpu.memory_space<vmem>>, vector<400x1xf32>
    %get3A_2 = arith.constant 0 : index
    %get3A_3 = arith.constant 0 : index
    %get3A_4 = arith.constant 0 : index
    %get3A_5 = vector.load %arg1[%get3A_2, %get3A_3, %get3A_4] : memref<2x400x32xbf16, #tpu.memory_space<vmem>>, vector<1x400x32xbf16>
    %get3A_6 = vector.shape_cast %get3A_5 : vector<1x400x32xbf16> to vector<400x32xbf16>
    %get3A_7 = arith.constant 1 : index
    %get3A_8 = arith.constant 0 : index
    %get3A_9 = arith.constant 0 : index
    %get3A_10 = vector.load %arg1[%get3A_7, %get3A_8, %get3A_9] : memref<2x400x32xbf16, #tpu.memory_space<vmem>>, vector<1x400x32xbf16>
    %get3A_11 = vector.shape_cast %get3A_10 : vector<1x400x32xbf16> to vector<400x32xbf16>
    %add3A = arith.addf %get3A_6, %get3A_11 : vector<400x32xbf16>
    %get3A_12 = arith.constant 0 : index
    %get3A_13 = arith.constant 0 : index
    %get3A_14 = vector.load %arg2[%get3A_12, %get3A_13] : memref<400x32xbf16, #tpu.memory_space<vmem>>, vector<400x32xbf16>
    %add3A_15 = arith.addf %add3A, %get3A_14 : vector<400x32xbf16>
    %convert_element_type3A = arith.extf %add3A_15 : vector<400x32xbf16> to vector<400x32xf32>
    %mul3A = vector.broadcast %get3A_1 : vector<400x1xf32> to vector<400x32xf32>
    %mul3A_16 = arith.mulf %convert_element_type3A, %mul3A : vector<400x32xf32>
    %get3A_17 = arith.constant 0 : index
    %get3A_18 = arith.constant 0 : index
    %get3A_19 = vector.load %arg4[%get3A_17, %get3A_18] : memref<1x32xf32, #tpu.memory_space<vmem>>, vector<1x32xf32>
    %add3A_20 = vector.broadcast %get3A_19 : vector<1x32xf32> to vector<400x32xf32>
    %add3A_21 = arith.addf %mul3A_16, %add3A_20 : vector<400x32xf32>
    %slice3A = vector.extract_strided_slice %add3A_21 {offsets = [0, 0], sizes = [400, 18], strides = [1, 1]} : vector<400x32xf32> to vector<400x18xf32>
    %reduce_max3A = arith.constant dense<0xFF800000> : vector<400xf32>
    %reduce_max3A_22 = vector.multi_reduction <maximumf>, %slice3A, %reduce_max3A [1] : vector<400x18xf32> to vector<400xf32>
    %broadcast_in_dim3A = vector.shape_cast %reduce_max3A_22 : vector<400xf32> to vector<400x1xf32>
    %sub3A = vector.broadcast %broadcast_in_dim3A : vector<400x1xf32> to vector<400x18xf32>
    %sub3A_23 = arith.subf %slice3A, %sub3A : vector<400x18xf32>
    %exp3A = math.exp %sub3A_23 : vector<400x18xf32>
    %reduce_sum3A = arith.constant dense<0.000000e+00> : vector<400xf32>
    %reduce_sum3A_24 = vector.multi_reduction <add>, %exp3A, %reduce_sum3A [1] : vector<400x18xf32> to vector<400xf32>
    %broadcast_in_dim3A_25 = vector.shape_cast %reduce_sum3A_24 : vector<400xf32> to vector<400x1xf32>
    %log3A = math.log %broadcast_in_dim3A_25 : vector<400x1xf32>
    %add3A_26 = arith.addf %log3A, %broadcast_in_dim3A : vector<400x1xf32>
    %swap3A = arith.constant 0 : index
    %swap3A_27 = arith.constant 0 : index
    %swap3A_28 = vector.load %arg6[%swap3A, %swap3A_27] : memref<400x18xf32, #tpu.memory_space<vmem>>, vector<400x18xf32>
    tpu.vector_store %arg6[%swap3A, %swap3A_27], %slice3A {strides = array<i32>} : memref<400x18xf32, #tpu.memory_space<vmem>>, vector<400x18xf32>,
    %sub3A_29 = vector.broadcast %add3A_26 : vector<400x1xf32> to vector<400x18xf32>
    %sub3A_30 = arith.subf %slice3A, %sub3A_29 : vector<400x18xf32>
    %swap3A_31 = arith.constant 0 : index
    %swap3A_32 = arith.constant 0 : index
    %swap3A_33 = vector.load %arg5[%swap3A_31, %swap3A_32] : memref<400x18xf32, #tpu.memory_space<vmem>>, vector<400x18xf32>
    tpu.vector_store %arg5[%swap3A_31, %swap3A_32], %sub3A_30 {strides = array<i32>} : memref<400x18xf32, #tpu.memory_space<vmem>>, vector<400x18xf32>,
    return
  }
  func.func @transform_0(%arg0: i32) -> (i32, i32, i32) {
    %c0_i32 = arith.constant 0 : i32
    %c0_i32_0 = arith.constant 0 : i32
    %c0_i32_1 = arith.constant 0 : i32
    return %c0_i32, %arg0, %c0_i32_0 : i32, i32, i32
  }
  func.func @transform_1(%arg0: i32) -> (i32, i32) {
    %c0_i32 = arith.constant 0 : i32
    %c0_i32_0 = arith.constant 0 : i32
    return %arg0, %c0_i32 : i32, i32
  }
  func.func @transform_2(%arg0: i32) -> (i32, i32) {
    %c0_i32 = arith.constant 0 : i32
    %c0_i32_0 = arith.constant 0 : i32
    return %arg0, %c0_i32 : i32, i32
  }
  func.func @transform_3(%arg0: i32) -> (i32, i32) {
    %c0_i32 = arith.constant 0 : i32
    %c0_i32_0 = arith.constant 0 : i32
    %c0_i32_1 = arith.constant 0 : i32
    return %c0_i32, %c0_i32_0 : i32, i32
  }
  func.func @transform_4(%arg0: i32) -> (i32, i32) {
    %c0_i32 = arith.constant 0 : i32
    %c0_i32_0 = arith.constant 0 : i32
    return %arg0, %c0_i32 : i32, i32
  }
  func.func @transform_5(%arg0: i32) -> (i32, i32) {
    %c0_i32 = arith.constant 0 : i32
    %c0_i32_0 = arith.constant 0 : i32
    return %arg0, %c0_i32 : i32, i32
  }
}

</mosaic_0001>

<sc_bundles>
// kernel: kernel.11.cloned.1.call-start
scs
__scs_entry_jumppad:
0x0: {  	(pc) =	sbr.rel $0x88, $3  }
0x1: {  	(tag) =	ssettag $0x0;
	lr =	simm.s32 $0x1  }
0x2: {  	[smem:$0x3F9B] =	sst lr;
	_ =	strace $0xD0000000  }
0x3: {  	_ = 	snop  }
0x4: {  	_ = 	snop  }
0x5: {  	_ = 	snop  }
0x6: {  	_ = 	snop  }
0x7: {  	_ = 	snop  }
__scs_overlays_trampoline_lowered:
0x8: {  	[smem:$0x3FAA] =	sst s0  }
0x9: {  	[smem:$0x3FAB] =	sst s1  }
0xa: {  	[smem:$0x3FAC] =	sst s2  }
0xb: {  	[smem:$0x3FAD] =	sst s3  }
0xc: {  	[smem:$0x3FAE] =	sst s4  }
0xd: {  	[smem:$0x3FAF] =	sst s5  }
0xe: {  	[smem:$0x3FB0] =	sst s6  }
0xf: {  	[smem:$0x3FB1] =	sst s7  }
0x10: {  	[smem:$0x3FB2] =	sst s8  }
0x11: {  	[smem:$0x3FB3] =	sst s9;
	s0 =	simm.s32 @!p0 $0x0  }
0x12: {  	s1 =	sld [smem:$0x3F99];
	s0 =	simm.s32 @p0 $0x1  }
0x13: {  	[smem:$0x3FB4] =	sst s0;
	s0 =	simm.s32 @!p1 $0x0  }
0x14: {  	s2 =	sld [smem:$0x3F98];
	s0 =	simm.s32 @p1 $0x1  }
0x15: {  	[smem:$0x3FB5] =	sst s0;
	s0 =	simm.s32 @!p2 $0x0  }
0x16: {  	s3 =	sld [smem:$0x3FDB];
	s0 =	simm.s32 @p2 $0x1  }
0x17: {  	s4 =	simm.s32 $0x1BF5;
	[smem:$0x3FB7] =	sst s0  }
0x18: {  	s0 =	sld [smem:$0x3F9A];
	_ =	swait.ge [sflag:s4], $0x0  }
0x19: {  	s7 =	sld [smem:$0x3F9B]  }
0x1a: {  	s8 =	sadd.s32 $0xFFFFE003, lr  }
0x1b: {  	s9 =	sadd.s32 $0xFFFFFEF7, lr;
	s5 =	simm.s32 $0xFFFFFFFF;
	p2 =	slt.u32 s8, $0xFFFFF086  }
0x1c: {  	p1 =	slt.u32 s9, $0xF7A;
	s5 =	simm.s32 @!p2 $0x0  }
0x1d: {  	s5 =	simm.s32 @p1 $0x1;
	p0 =	seq.s32 s7, s2  }
0x1e: {  	s7 =	smul.u32 @!p0 $0xF7A, s2;
	p2 =	seq.s32 @!p0 s5, $0x0  }
0x1f: {  	s9 =	smul.u32 $0xF7A, s1;
	s8 =	simm.s32 @!p0 $0x1BF5;
	p2 =	por !p2, p0  }
0x20: {  	[sflag:s8] =	ssyncset.s32 @!p0 $0xFFFFF086;
	s6 =	sadd.s32 @!p0 s3, s7;
	s7 =	simm.s32 @!p0 $0x108  }
0x21: {  	s3 =	sadd.s32 s3, s9;
	s6 =	sadd.s32 @!p0 $0x88, s6;
	s7 =	simm.s32 @p2 $0x1082  }
0x22: {  	[simem:s7], [sflag:s8] =	dma.local @!p0 [hbm:s6], $0xF7A  }
0x23: {  	s9 =	sor.u32 $0xD0000000, s2;
	s6 =	simm.s32 $0x108;
	_ =	swait.ge @!p0 [sflag:s8], $0x0  }
0x24: {  	s3 =	sadd.s32 $0x88, s3;
	s6 =	simm.s32 @!p1 $0x1082;
	[sflag:s4] =	ssyncset.s32 $0xFFFFF086  }
0x25: {  	[simem:s6], [sflag:s4] =	dma.local [hbm:s3], $0xF7A  }
0x26: {  	[smem:$0x3F9B] =	sst s1;
	(tag) =	ssettag s2;
	_ =	strace s9  }
0x27: {  	s1 =	sld [smem:$0x3FAB]  }
0x28: {  	s2 =	sld [smem:$0x3FAC]  }
0x29: {  	s4 =	sld [smem:$0x3FAE]  }
0x2a: {  	p0 =	seq.s32 s5, $0x0;
	s5 =	sld [smem:$0x3FAF]  }
0x2b: {  	s6 =	sld [smem:$0x3FB0]  }
0x2c: {  	s7 =	sld [smem:$0x3FB1]  }
0x2d: {  	s3 =	simm.s32 $0x108;
	s8 =	sld [smem:$0x3FB2]  }
0x2e: {  	s3 =	simm.s32 @!p0 $0x1082;
	s9 =	sld [smem:$0x3FB3]  }
0x2f: {  	lr =	sadd.s32 s0, s3;
	s0 =	sld [smem:$0x3FAA]  }
0x30: {  	s3 =	sld [smem:$0x3FAD]  }
0x31: {  	[smem:$0x3FB6] =	sst s10  }
0x32: {  	s10 =	sld [smem:$0x3FB4];
	_ =	sdelay $0x3  }
0x33: {  	p0 =	seq.s32 s10, $0x1;
	s10 =	sld [smem:$0x3FB6];
	_ =	sdelay $0x3  }
0x34: {  	[smem:$0x3FB6] =	sst s10  }
0x35: {  	s10 =	sld [smem:$0x3FB5];
	_ =	sdelay $0x3  }
0x36: {  	p1 =	seq.s32 s10, $0x1;
	s10 =	sld [smem:$0x3FB6];
	_ =	sdelay $0x3  }
0x37: {  	[smem:$0x3FB6] =	sst s10  }
0x38: {  	s10 =	sld [smem:$0x3FB7]  }
0x39: {  	_ = 	snop;
	(pc) =	sbr.ind lr, $3  }
0x3a: {  	_ = 	snop  }
0x3b: {  	_ = 	snop  }
0x3c: {  	p2 =	seq.s32 s10, $0x1;
	s10 =	sld [smem:$0x3FB6]  }
0x3d: {  	_ =	shalt  }
0x3e: {  	_ =	shalt  }
0x3f: {  	_ =	shalt  }
0x40: {  	_ =	shalt  }
0x41: {  	_ =	shalt  }
0x42: {  	_ =	shalt  }
0x43: {  	_ =	shalt  }
0x44: {  	_ =	shalt  }
0x45: {  	_ =	shalt  }
0x46: {  	_ =	shalt  }
0x47: {  	_ =	shalt  }
0x48: {  	_ =	shalt  }
0x49: {  	_ =	shalt  }
0x4a: {  	_ =	shalt  }
0x4b: {  	_ =	shalt  }
0x4c: {  	_ =	shalt  }
0x4d: {  	_ =	shalt  }
0x4e: {  	_ =	shalt  }
0x4f: {  	_ =	shalt  }
0x50: {  	_ =	shalt  }
0x51: {  	_ =	shalt  }
0x52: {  	_ =	shalt  }
0x53: {  	_ =	shalt  }
0x54: {  	_ =	shalt  }
0x55: {  	_ =	shalt  }
0x56: {  	_ =	shalt  }
0x57: {  	_ =	shalt  }
0x58: {  	_ =	shalt  }
0x59: {  	_ =	shalt  }
0x5a: {  	_ =	shalt  }
0x5b: {  	_ =	shalt  }
0x5c: {  	_ =	shalt  }
0x5d: {  	_ =	shalt  }
0x5e: {  	_ =	shalt  }
0x5f: {  	_ =	shalt  }
0x60: {  	_ =	shalt  }
0x61: {  	_ =	shalt  }
0x62: {  	_ =	shalt  }
0x63: {  	_ =	shalt  }
0x64: {  	_ =	shalt  }
0x65: {  	_ =	shalt  }
0x66: {  	_ =	shalt  }
0x67: {  	_ =	shalt  }
0x68: {  	_ =	shalt  }
0x69: {  	_ =	shalt  }
0x6a: {  	_ =	shalt  }
0x6b: {  	_ =	shalt  }
0x6c: {  	_ =	shalt  }
0x6d: {  	_ =	shalt  }
0x6e: {  	_ =	shalt  }
0x6f: {  	_ =	shalt  }
0x70: {  	_ =	shalt  }
0x71: {  	_ =	shalt  }
0x72: {  	_ =	shalt  }
0x73: {  	_ =	shalt  }
0x74: {  	_ =	shalt  }
0x75: {  	_ =	shalt  }
0x76: {  	_ =	shalt  }
0x77: {  	_ =	shalt  }
0x78: {  	_ =	shalt  }
0x79: {  	_ =	shalt  }
0x7a: {  	_ =	shalt  }
0x7b: {  	_ =	shalt  }
0x7c: {  	_ =	shalt  }
0x7d: {  	_ =	shalt  }
0x7e: {  	_ =	shalt  }
0x7f: {  	_ =	shalt  }
0x80: {  	_ =	shalt  }
0x81: {  	_ =	shalt  }
0x82: {  	_ =	shalt  }
0x83: {  	_ =	shalt  }
0x84: {  	_ =	shalt  }
0x85: {  	_ =	shalt  }
0x86: {  	_ =	shalt  }
0x87: {  	_ =	shalt  }
.Lfunc_end0:
.L_simem_size_0:
called_computation.1_lowered:
.L_overlay_start_0:
0x88: {  	s2 =	sld [smem:$0x3FD9]  }
0x89: {  	s3 =	sld [smem:$0x3FFE];
	_ =	sdelay $0x1  }
0x8a: {  	s1 =	srdreg.scid  }
0x8b: {  	s0 =	sand.u32 $0x1, s1  }
0x8c: {  	s14 =	sshll.u32 s0, $0xA;
	s2 =	sadd.s32 s3, s2  }
0x8d: {  	s2 =	sadd.s32 s2, s14  }
0x8e: {  	[smem:$0x3FC2] =	sst s2  }
0x8f: {  	_ = 	snop  }
0x90: {  	s2 =	sld [smem:$0x3FD0];
	_ =	sdelay $0x2  }
0x91: {  	s15 =	simm.s32 $0xA;
	s4 =	simm.s32 $0x10  }
0x92: {  	[smem:s4], [sflag:s15] =	dma.local [hbm:s2], $0x1  }
0x93: {  	_ =	swait.eq [sflag:s15], $0x1  }
0x94: {  	[sflag:s15] =	ssyncset.done $0x0  }
0x95: {  	[sflag:s15] =	ssyncadd.s32 $0xFFFFFFFF  }
0x96: {  	s16 =	sld [smem:$0x11];
	(tm) =	ssettm $0x1  }
0x97: {  	s17 =	sld [smem:$0x3FFB];
	_ =	sdelay $0x3  }
0x98: {  	_ =	strace s17  }
0x99: {  	s3 =	sld [smem:$0x3FFC];
	_ =	sdelay $0x3  }
0x9a: {  	_ =	strace s3  }
0x9b: {  	s3 =	sld [smem:$0x3FFD];
	_ =	sdelay $0x3  }
0x9c: {  	_ =	strace s3  }
0x9d: {  	_ =	strace $0x8FFFFFFF  }
0x9e: {  	s18 =	sld [smem:$0x3FDB];
	_ =	sdelay $0x1  }
0x9f: {  	s19 =	simm.s32 $_scs_section_size  }
0xa0: {  	s5 =	simm.s32 $_size__tile_overlayer_lowered;
	s6 =	simm.s32 $_tile_overlayer_lowered  }
0xa1: {  	s22 =	simm.s32 $0x1BFF;
	s21 =	sshll.u32 s6, $0x1;
	s3 =	sadd.s32 s19, s18  }
0xa2: {  	s7 =	simm.s32 $0x0;
	s20 =	sshll.u32 s5, $0x1;
	s5 =	sadd.s32 s21, s3  }
0xa3: {  	[timem:s7], [sflag:s22] =	dma.local [hbm:s5], s20  }
0xa4: {  	_ =	swait.ge [sflag:s22], s20  }
0xa5: {  	s4 =	ssub.s32 $0x0, s20;
	[sflag:s22] =	ssyncset.done $0x0  }
0xa6: {  	[sflag:s22] =	ssyncadd.s32 s4;
	_ =	sdelay $0x1  }
0xa7: {  	s23 =	simm.s32 $0x1B8B  }
0xa8: {  	_ =	swait.ge [sflag:s23], $0x1  }
0xa9: {  	[sflag:s23] =	ssyncset.done $0x0  }
0xaa: {  	s25 =	simm.s32 $0x1B8E;
	s24 =	sld [smem:$0x3FFE];
	[sflag:s23] =	ssyncadd.s32 $0xFFFFFFFF  }
0xab: {  	s26 =	simm.s32 $execute0_lowered;
	[smem:$0x3FD2] =	sst s25  }
0xac: {  	s5 =	sshll.u32 s26, $0x1;
	_ =	strace $0x80000049;
	[dreg:$0x1] =	wrdreg $0xFFFFFFFF  }
0xad: {  	s28 =	simm.s32 $_size_execute0_lowered;
	s3 =	sadd.s32 s3, s5;
	[dreg:$0x0] =	wrdreg $0x0  }
0xae: {  	s5 =	sshll.u32 s28, $0x1;
	[dreg:$0x2] =	wrdreg s3  }
0xaf: {  	[dreg:$0x3] =	wrdreg s5  }
0xb0: {  	[dreg:$0x4] =	wrdreg $0xC0  }
0xb1: {  	_ =	task [dreg:s7], $0x5FFFF  }
0xb2: {  	[dreg:$0x1] =	wrdreg $0xFFFFFFFF  }
0xb3: {  	[dreg:$0x0] =	wrdreg $0x60  }
0xb4: {  	[dreg:$0x2] =	wrdreg s24  }
0xb5: {  	[dreg:$0x3] =	wrdreg s16  }
0xb6: {  	[dreg:$0x4] =	wrdreg $0xB1000  }
0xb7: {  	[dreg:$0x5] =	wrdreg $0x9  }
0xb8: {  	_ =	task.clear_ibuf [dreg:s7], $0x6FFFF;
	_ =	strace $0x90000049  }
0xb9: {  	s29 =	simm.s32 $0x9;
	_ =	strace $0x8000004B  }
0xba: {  	_ =	swait.ge [sflag:s29], $0x1  }
0xbb: {  	[sflag:s29] =	ssyncadd.s32 $0xFFFFFFFF  }
0xbc: {  	_ =	strace $0x9000004B  }
0xbd: {  	_ =	sfence  }
0xbe: {  	s30 =	sld [smem:$0x0];
	_ =	sdelay $0x2  }
0xbf: {  	s31 =	sshll.u32 s1, $0xD;
	s1 =	sshrl.u32 s1, $0x2  }
0xc0: {  	s3 =	sand.u32 $0x4000, s31;
	s1 =	sadd.s32 s1, s30  }
0xc1: {  	s0 =	sor.u32 s3, s0;
	s1 =	sshll.u32 s1, $0x11  }
0xc2: {  	s0 =	sor.u32 s1, s0  }
0xc3: {  	s0 =	sadd.s32 $0x8F2B, s0  }
0xc4: {  	[sflag:s0] =	ssyncadd.remote.s32 $0x1  }
0xc5: {  	_ =	sfence.sel $0xFFFF  }
0xc6: {  	[dreg:$0x0] =	wrdreg $0xFFFFFFFF;
	(pc) =	sbr.abs _section_cstart, $3  }
0xc7: {  	[dreg:$0x1] =	wrdreg $0xFFFFFFFF  }
0xc8: {  	_ =	task.clear_ibuf [dreg:s7], $0x2FFFF;
	_ =	strace $0x9FFFFFFF  }
0xc9: {  	(tm) =	ssettm $0x7FFFFFFF  }
tec
execute0_lowered:
.L_overlay_start_1:
0x0: {  	(tag) =	ssettag $0x1  }
0x1: {  	s0 =	rddreg [dreg:$0x0];
	s1 =	srdreg.scid  }
0x2: {  	s3 =	rddreg [dreg:$0x2];
	s2 =	stileid.u32  }
0x3: {  	s4 =	simm.s32 $0x0;
	s12 =	simm.s32 $0x7;
	s13 =	simm.s32 $0x2880  }
0x4: {  	s14 =	simm.s32 $0x80;
	s15 =	simm.s32 $0x5100;
	s16 =	simm.s32 $0x7100  }
0x5: {  	s17 =	simm.s32 $0x1;
	s18 =	simm.s32 $0x100;
	s19 =	simm.s32 $0x9100  }
0x6: {  	s20 =	simm.s32 $0x2;
	s21 =	simm.s32 $0x2900;
	s22 =	simm.s32 $0x4  }
0x7: {  	s23 =	simm.s32 $0x180;
	s24 =	simm.s32 $0x3;
	s25 =	simm.s32 $0x2980  }
0x8: {  	s28 =	simm.s32 $0x200;
	s29 =	simm.s32 $0x6;
	s30 =	simm.s32 $0x0  }
0x9: {  	s1 =	sand.u32 $0x1, s1;
	s6 =	smul.u32 $0x14000, s2;
	[smem:$0x7FF] =	sst s4  }
0xa: {  	s31 =	sshll.u32 s2, $0x6;
	s5 =	sshll.u32 s1, $0x4;
	s7 =	smul.u32 $0x140000, s1  }
0xb: {  	_ =	strace $0x8000004A;
	s1 =	ssub.s32 $0x2, s1;
	s5 =	sor.u32 s2, s5  }
0xc: {  	s26 =	sshrl.u32 s1, $0x1;
	s8 =	smul.u32 $0x510, s5;
	s5 =	sadd.s32 $0x47200, s0  }
.Ltmp0:
0xd: {  	s7 =	sadd.s32 s6, s7;
	s6 =	sshrl.u32 s6, $0x1;
	(pc) =	sbr.rel .LBB2_1-.Ltmp0, $4  }
0xe: {  	s1 =	ssub.s32 s1, s26;
	s26 =	simm.s32 $0x5;
	s7 =	sshrl.u32 s7, $0x4  }
0xf: {  	s11 =	sadd.s32 s6, s3;
	s6 =	sor.u32 $0x1C07, s31;
	s10 =	smax.u32 s1, $0x1  }
0x10: {  	s8 =	sadd.s32 s8, s0;
	s0 =	sadd.s32 s7, s0;
	s11 =	sshrl.u32 s11, $0x3  }
0x11: {  	s7 =	sadd.s32 $0x15E00, s8;
	s8 =	sadd.s32 $0x1A00, s8;
	s9 =	sadd.s32 $0x5AC00, s0  }
.LBB2_4:
0x12: {  	_ =	swait.ge [sflag:s24], $0x2000  }
0x13: {  	[sflag:s24] =	ssyncset.done $0x0  }
0x14: {  	[sflag:s24] =	ssyncadd.s32 $0xFFFFE000  }
0x15: {  	[spmem:s3] =	stream.indirect.scatter.add.bf16 [tilespmem:s19], [sflag:$0x6], $0x40, s1, s14, $0xb8;
	[tilespmem:$0x15100] =	vst v63  }
0x16: {  	_ =	swait.ge [sflag:s26], $0x2000  }
0x17: {  	[sflag:s26] =	ssyncset.done $0x0  }
0x18: {  	[sflag:s26] =	ssyncadd.s32 $0xFFFFE000  }
0x19: {  	_ =	swait.ge [sflag:s29], $0x2000  }
0x1a: {  	s30 =	sadd.s32 $0x1, s30;
	[sflag:s29] =	ssyncset.done $0x0  }
0x1b: {  	p0 =	sne.s32 s30, s10;
	[sflag:s29] =	ssyncadd.s32 $0xFFFFE000  }
.Ltmp1:
0x1c: {  	[bflag:$0x0] =	sbarrier.arrive $0xFFFF;
	(pc) =	sbr.rel @!p0 .LBB2_5-.Ltmp1, $4  }
0x1d: {  	[hbm:s9], [sflag:s6] =	dma.local [spmem:s11], $0x1400  }
0x1e: {  	_ =	swait.ge [sflag:s12], $0x1400  }
0x1f: {  	[sflag:s12] =	ssyncset.done $0x0  }
0x20: {  	[sflag:s12] =	ssyncadd.s32 $0xFFFFEC00  }
.LBB2_1:
0x21: {  	s0 =	rddreg [dreg:$0x1]  }
0x22: {  	[spmem:s11], [sflag:s6] =	dma.local [hbm:s0], $0x1400  }
0x23: {  	_ =	swait.ge [sflag:s12], $0x1400  }
0x24: {  	[sflag:s12] =	ssyncset.done $0x0  }
0x25: {  	[sflag:s12] =	ssyncadd.s32 $0xFFFFEC00  }
0x26: {  	[tilespmem:s4], [sflag:$0x7] =	stream.linear.gather [hbm4b:s7+s4], $0x2880, $0x38;
	[tilespmem:$0x15100] =	vst v63  }
0x27: {  	_ =	swait.ge [sflag:s12], $0x2880  }
0x28: {  	[sflag:s12] =	ssyncset.done $0x0  }
0x29: {  	[sflag:s12] =	ssyncadd.s32 $0xFFFFD780  }
0x2a: {  	[tilespmem:s13], [sflag:$0x7] =	stream.linear.gather [hbm4b:s8+s4], $0x2880, $0x38;
	[tilespmem:$0x15100] =	vst v63  }
0x2b: {  	_ =	swait.ge [sflag:s12], $0x2880  }
0x2c: {  	[sflag:s12] =	ssyncset.done $0x0  }
0x2d: {  	[sflag:s12] =	ssyncadd.s32 $0xFFFFD780  }
0x2e: {  	[bflag:$0x0] =	sbarrier.arrive $0xFFFF  }
0x2f: {  	[tilespmem:s15], [sflag:$0x1] =	stream.indirect.gather [hbm4b:s5+s14], $0x40, s4, s14, $0xb8;
	[tilespmem:$0x15100] =	vst v63  }
0x30: {  	_ = 	snop  }
0x31: {  	[tilespmem:s16], [sflag:$0x2] =	stream.indirect.gather [hbm4b:s5+s14], $0x40, s14, s14, $0xb8;
	[tilespmem:$0x15100] =	vst v63  }
0x32: {  	_ =	swait.ge [sflag:s17], $0x2000  }
0x33: {  	[sflag:s17] =	ssyncset.done $0x0  }
0x34: {  	[sflag:s17] =	ssyncadd.s32 $0xFFFFE000  }
0x35: {  	[spmem:s3] =	stream.indirect.scatter.add.bf16 [tilespmem:s15], [sflag:$0x4], $0x40, s13, s14, $0xb8;
	[tilespmem:$0x15100] =	vst v63  }
0x36: {  	_ = 	snop  }
0x37: {  	[tilespmem:s19], [sflag:$0x3] =	stream.indirect.gather [hbm4b:s5+s14], $0x40, s18, s14, $0xb8;
	[tilespmem:$0x15100] =	vst v63  }
0x38: {  	_ =	swait.ge [sflag:s20], $0x2000  }
0x39: {  	[sflag:s20] =	ssyncset.done $0x0  }
0x3a: {  	[sflag:s20] =	ssyncadd.s32 $0xFFFFE000  }
0x3b: {  	[spmem:s3] =	stream.indirect.scatter.add.bf16 [tilespmem:s16], [sflag:$0x5], $0x40, s21, s14, $0xb8;
	[tilespmem:$0x15100] =	vst v63  }
0x3c: {  	_ =	swait.ge [sflag:s22], $0x2000  }
0x3d: {  	[sflag:s22] =	ssyncset.done $0x0  }
0x3e: {  	[sflag:s22] =	ssyncadd.s32 $0xFFFFE000  }
0x3f: {  	[tilespmem:s15], [sflag:$0x1] =	stream.indirect.gather [hbm4b:s5+s14], $0x40, s23, s14, $0xb8;
	[tilespmem:$0x15100] =	vst v63  }
0x40: {  	_ =	swait.ge [sflag:s24], $0x2000  }
0x41: {  	[sflag:s24] =	ssyncset.done $0x0  }
0x42: {  	[sflag:s24] =	ssyncadd.s32 $0xFFFFE000  }
0x43: {  	[spmem:s3] =	stream.indirect.scatter.add.bf16 [tilespmem:s19], [sflag:$0x6], $0x40, s25, s14, $0xb8;
	[tilespmem:$0x15100] =	vst v63  }
0x44: {  	_ =	swait.ge [sflag:s26], $0x2000  }
0x45: {  	[sflag:s26] =	ssyncset.done $0x0  }
0x46: {  	s31 =	simm.s32 $0x0;
	[sflag:s26] =	ssyncadd.s32 $0xFFFFE000  }
0x47: {  	[tilespmem:s16], [sflag:$0x2] =	stream.indirect.gather [hbm4b:s5+s14], $0x40, s28, s14, $0xb8;
	[tilespmem:$0x15100] =	vst v63  }
.LBB2_2:
0x48: {  	_ =	swait.ge [sflag:s17], $0x2000  }
0x49: {  	s0 =	sshra.s32 s31, $0x2;
	[sflag:s17] =	ssyncset.done $0x0  }
0x4a: {  	s1 =	sadd.s32 $0x2A00, s0;
	[sflag:s17] =	ssyncadd.s32 $0xFFFFE000  }
0x4b: {  	[spmem:s3] =	stream.indirect.scatter.add.bf16 [tilespmem:s15], [sflag:$0x4], $0x40, s1, s14, $0xb8;
	[tilespmem:$0x15100] =	vst v63  }
0x4c: {  	_ =	swait.ge [sflag:s29], $0x2000  }
0x4d: {  	[sflag:s29] =	ssyncset.done $0x0  }
0x4e: {  	s2 =	sadd.s32 $0x280, s0;
	[sflag:s29] =	ssyncadd.s32 $0xFFFFE000  }
0x4f: {  	[tilespmem:s19], [sflag:$0x3] =	stream.indirect.gather [hbm4b:s5+s14], $0x40, s2, s14, $0xb8;
	[tilespmem:$0x15100] =	vst v63  }
0x50: {  	_ =	swait.ge [sflag:s20], $0x2000  }
0x51: {  	p0 =	seq.s32 s31, $0x9600;
	[sflag:s20] =	ssyncset.done $0x0  }
.Ltmp2:
0x52: {  	s2 =	sadd.s32 $0x2A80, s0;
	[sflag:s20] =	ssyncadd.s32 $0xFFFFE000;
	(pc) =	sbr.rel @p0 .LBB2_4-.Ltmp2, $4  }
0x53: {  	[spmem:s3] =	stream.indirect.scatter.add.bf16 [tilespmem:s16], [sflag:$0x5], $0x40, s2, s14, $0xb8;
	[tilespmem:$0x15100] =	vst v63  }
0x54: {  	_ =	swait.ge [sflag:s22], $0x2000  }
0x55: {  	[sflag:s22] =	ssyncset.done $0x0  }
0x56: {  	s1 =	sadd.s32 $0x2B00, s0;
	[sflag:s22] =	ssyncadd.s32 $0xFFFFE000  }
0x57: {  	s2 =	sadd.s32 $0x300, s0  }
0x58: {  	[tilespmem:s15], [sflag:$0x1] =	stream.indirect.gather [hbm4b:s5+s14], $0x40, s2, s14, $0xb8;
	[tilespmem:$0x15100] =	vst v63  }
0x59: {  	_ =	swait.ge [sflag:s24], $0x2000  }
0x5a: {  	[sflag:s24] =	ssyncset.done $0x0  }
0x5b: {  	[sflag:s24] =	ssyncadd.s32 $0xFFFFE000  }
0x5c: {  	[spmem:s3] =	stream.indirect.scatter.add.bf16 [tilespmem:s19], [sflag:$0x6], $0x40, s1, s14, $0xb8;
	[tilespmem:$0x15100] =	vst v63  }
.Ltmp3:
0x5d: {  	_ = 	snop;
	(pc) =	sbr.rel .LBB2_2-.Ltmp3, $4  }
0x5e: {  	_ =	swait.ge [sflag:s26], $0x2000  }
0x5f: {  	[sflag:s26] =	ssyncset.done $0x0  }
0x60: {  	s31 =	sadd.s32 $0x600, s31;
	s2 =	sadd.s32 $0x380, s0;
	[sflag:s26] =	ssyncadd.s32 $0xFFFFE000  }
0x61: {  	[tilespmem:s16], [sflag:$0x2] =	stream.indirect.gather [hbm4b:s5+s14], $0x40, s2, s14, $0xb8;
	[tilespmem:$0x15100] =	vst v63  }
.LBB2_5:
0x62: {  	_ =	sfence.sel $0x180000  }
0x63: {  	[bflag:$0x0] =	sbarrier.arrive $0xFFFF  }
0x64: {  	_ =	strace $0x9000004A  }
0x65: {  	s0 =	stileid.u32;
	[bflag:$0x2] =	sbarrier.arrive $0xFFFF  }
0x66: {  	p0 =	sne.s32 s0, $0x0;
	s0 =	rddreg [dreg:$0x3]  }
0x67: {  	s0 =	sadd.s32 @!p0 $0x100000, s0  }
0x68: {  	[sflag:s0] =	ssyncadd.tile.s32 @!p0 $0x1;
	_ =	shalt  }
.Lfunc_end2:
_tile_overlayer_lowered:
.L_overlay_start_2:
0x69: {  	(tag) =	ssettag $0x2  }
0x6a: {  	s0 =	rddreg [dreg:$0x0];
	s2 =	stileid.u32  }
0x6b: {  	s1 =	rddreg [dreg:$0x1];
	p0 =	sne.s32 s2, $0x0  }
0x6c: {  	s3 =	rddreg [dreg:$0x2];
	[bflag:$0x3] =	sbarrier.arrive $0xFFFF;
	s2 =	simm.s32 @!p0 $0x1C07  }
0x6d: {  	[timem:s3], [sflag:s2] =	dma.local @!p0 [hbm:s0], s1  }
0x6e: {  	s0 =	simm.s32 @!p0 $0x7  }
0x6f: {  	_ =	swait.ge @!p0 [sflag:s0], s1  }
0x70: {  	s1 =	ssub.s32 @!p0 $0x0, s1;
	[sflag:s0] =	ssyncset.done @!p0 $0x0  }
0x71: {  	[sflag:s0] =	ssyncadd.s32 @!p0 s1  }
0x72: {  	[bflag:$0x3] =	sbarrier.arrive $0xFFFF  }
0x73: {  	_ =	shalt  }

// kernel: kernel.14.cloned.1.call-start
scs
__scs_entry_jumppad:
0x0: {  	(pc) =	sbr.rel $0x88, $3  }
0x1: {  	(tag) =	ssettag $0x0;
	lr =	simm.s32 $0x1  }
0x2: {  	[smem:$0x3F9B] =	sst lr;
	_ =	strace $0xD0000000  }
0x3: {  	_ = 	snop  }
0x4: {  	_ = 	snop  }
0x5: {  	_ = 	snop  }
0x6: {  	_ = 	snop  }
0x7: {  	_ = 	snop  }
__scs_overlays_trampoline_lowered:
0x8: {  	[smem:$0x3FAA] =	sst s0  }
0x9: {  	[smem:$0x3FAB] =	sst s1  }
0xa: {  	[smem:$0x3FAC] =	sst s2  }
0xb: {  	[smem:$0x3FAD] =	sst s3  }
0xc: {  	[smem:$0x3FAE] =	sst s4  }
0xd: {  	[smem:$0x3FAF] =	sst s5  }
0xe: {  	[smem:$0x3FB0] =	sst s6  }
0xf: {  	[smem:$0x3FB1] =	sst s7  }
0x10: {  	[smem:$0x3FB2] =	sst s8  }
0x11: {  	[smem:$0x3FB3] =	sst s9;
	s0 =	simm.s32 @!p0 $0x0  }
0x12: {  	s1 =	sld [smem:$0x3F99];
	s0 =	simm.s32 @p0 $0x1  }
0x13: {  	[smem:$0x3FB4] =	sst s0;
	s0 =	simm.s32 @!p1 $0x0  }
0x14: {  	s2 =	sld [smem:$0x3F98];
	s0 =	simm.s32 @p1 $0x1  }
0x15: {  	[smem:$0x3FB5] =	sst s0;
	s0 =	simm.s32 @!p2 $0x0  }
0x16: {  	s3 =	sld [smem:$0x3FDB];
	s0 =	simm.s32 @p2 $0x1  }
0x17: {  	s4 =	simm.s32 $0x1BF5;
	[smem:$0x3FB7] =	sst s0  }
0x18: {  	s0 =	sld [smem:$0x3F9A];
	_ =	swait.ge [sflag:s4], $0x0  }
0x19: {  	s7 =	sld [smem:$0x3F9B]  }
0x1a: {  	s8 =	sadd.s32 $0xFFFFE003, lr  }
0x1b: {  	s9 =	sadd.s32 $0xFFFFFEF7, lr;
	s5 =	simm.s32 $0xFFFFFFFF;
	p2 =	slt.u32 s8, $0xFFFFF086  }
0x1c: {  	p1 =	slt.u32 s9, $0xF7A;
	s5 =	simm.s32 @!p2 $0x0  }
0x1d: {  	s5 =	simm.s32 @p1 $0x1;
	p0 =	seq.s32 s7, s2  }
0x1e: {  	s7 =	smul.u32 @!p0 $0xF7A, s2;
	p2 =	seq.s32 @!p0 s5, $0x0  }
0x1f: {  	s9 =	smul.u32 $0xF7A, s1;
	s8 =	simm.s32 @!p0 $0x1BF5;
	p2 =	por !p2, p0  }
0x20: {  	[sflag:s8] =	ssyncset.s32 @!p0 $0xFFFFF086;
	s6 =	sadd.s32 @!p0 s3, s7;
	s7 =	simm.s32 @!p0 $0x108  }
0x21: {  	s3 =	sadd.s32 s3, s9;
	s6 =	sadd.s32 @!p0 $0x88, s6;
	s7 =	simm.s32 @p2 $0x1082  }
0x22: {  	[simem:s7], [sflag:s8] =	dma.local @!p0 [hbm:s6], $0xF7A  }
0x23: {  	s9 =	sor.u32 $0xD0000000, s2;
	s6 =	simm.s32 $0x108;
	_ =	swait.ge @!p0 [sflag:s8], $0x0  }
0x24: {  	s3 =	sadd.s32 $0x88, s3;
	s6 =	simm.s32 @!p1 $0x1082;
	[sflag:s4] =	ssyncset.s32 $0xFFFFF086  }
0x25: {  	[simem:s6], [sflag:s4] =	dma.local [hbm:s3], $0xF7A  }
0x26: {  	[smem:$0x3F9B] =	sst s1;
	(tag) =	ssettag s2;
	_ =	strace s9  }
0x27: {  	s1 =	sld [smem:$0x3FAB]  }
0x28: {  	s2 =	sld [smem:$0x3FAC]  }
0x29: {  	s4 =	sld [smem:$0x3FAE]  }
0x2a: {  	p0 =	seq.s32 s5, $0x0;
	s5 =	sld [smem:$0x3FAF]  }
0x2b: {  	s6 =	sld [smem:$0x3FB0]  }
0x2c: {  	s7 =	sld [smem:$0x3FB1]  }
0x2d: {  	s3 =	simm.s32 $0x108;
	s8 =	sld [smem:$0x3FB2]  }
0x2e: {  	s3 =	simm.s32 @!p0 $0x1082;
	s9 =	sld [smem:$0x3FB3]  }
0x2f: {  	lr =	sadd.s32 s0, s3;
	s0 =	sld [smem:$0x3FAA]  }
0x30: {  	s3 =	sld [smem:$0x3FAD]  }
0x31: {  	[smem:$0x3FB6] =	sst s10  }
0x32: {  	s10 =	sld [smem:$0x3FB4];
	_ =	sdelay $0x3  }
0x33: {  	p0 =	seq.s32 s10, $0x1;
	s10 =	sld [smem:$0x3FB6];
	_ =	sdelay $0x3  }
0x34: {  	[smem:$0x3FB6] =	sst s10  }
0x35: {  	s10 =	sld [smem:$0x3FB5];
	_ =	sdelay $0x3  }
0x36: {  	p1 =	seq.s32 s10, $0x1;
	s10 =	sld [smem:$0x3FB6];
	_ =	sdelay $0x3  }
0x37: {  	[smem:$0x3FB6] =	sst s10  }
0x38: {  	s10 =	sld [smem:$0x3FB7]  }
0x39: {  	_ = 	snop;
	(pc) =	sbr.ind lr, $3  }
0x3a: {  	_ = 	snop  }
0x3b: {  	_ = 	snop  }
0x3c: {  	p2 =	seq.s32 s10, $0x1;
	s10 =	sld [smem:$0x3FB6]  }
0x3d: {  	_ =	shalt  }
0x3e: {  	_ =	shalt  }
0x3f: {  	_ =	shalt  }
0x40: {  	_ =	shalt  }
0x41: {  	_ =	shalt  }
0x42: {  	_ =	shalt  }
0x43: {  	_ =	shalt  }
0x44: {  	_ =	shalt  }
0x45: {  	_ =	shalt  }
0x46: {  	_ =	shalt  }
0x47: {  	_ =	shalt  }
0x48: {  	_ =	shalt  }
0x49: {  	_ =	shalt  }
0x4a: {  	_ =	shalt  }
0x4b: {  	_ =	shalt  }
0x4c: {  	_ =	shalt  }
0x4d: {  	_ =	shalt  }
0x4e: {  	_ =	shalt  }
0x4f: {  	_ =	shalt  }
0x50: {  	_ =	shalt  }
0x51: {  	_ =	shalt  }
0x52: {  	_ =	shalt  }
0x53: {  	_ =	shalt  }
0x54: {  	_ =	shalt  }
0x55: {  	_ =	shalt  }
0x56: {  	_ =	shalt  }
0x57: {  	_ =	shalt  }
0x58: {  	_ =	shalt  }
0x59: {  	_ =	shalt  }
0x5a: {  	_ =	shalt  }
0x5b: {  	_ =	shalt  }
0x5c: {  	_ =	shalt  }
0x5d: {  	_ =	shalt  }
0x5e: {  	_ =	shalt  }
0x5f: {  	_ =	shalt  }
0x60: {  	_ =	shalt  }
0x61: {  	_ =	shalt  }
0x62: {  	_ =	shalt  }
0x63: {  	_ =	shalt  }
0x64: {  	_ =	shalt  }
0x65: {  	_ =	shalt  }
0x66: {  	_ =	shalt  }
0x67: {  	_ =	shalt  }
0x68: {  	_ =	shalt  }
0x69: {  	_ =	shalt  }
0x6a: {  	_ =	shalt  }
0x6b: {  	_ =	shalt  }
0x6c: {  	_ =	shalt  }
0x6d: {  	_ =	shalt  }
0x6e: {  	_ =	shalt  }
0x6f: {  	_ =	shalt  }
0x70: {  	_ =	shalt  }
0x71: {  	_ =	shalt  }
0x72: {  	_ =	shalt  }
0x73: {  	_ =	shalt  }
0x74: {  	_ =	shalt  }
0x75: {  	_ =	shalt  }
0x76: {  	_ =	shalt  }
0x77: {  	_ =	shalt  }
0x78: {  	_ =	shalt  }
0x79: {  	_ =	shalt  }
0x7a: {  	_ =	shalt  }
0x7b: {  	_ =	shalt  }
0x7c: {  	_ =	shalt  }
0x7d: {  	_ =	shalt  }
0x7e: {  	_ =	shalt  }
0x7f: {  	_ =	shalt  }
0x80: {  	_ =	shalt  }
0x81: {  	_ =	shalt  }
0x82: {  	_ =	shalt  }
0x83: {  	_ =	shalt  }
0x84: {  	_ =	shalt  }
0x85: {  	_ =	shalt  }
0x86: {  	_ =	shalt  }
0x87: {  	_ =	shalt  }
.Lfunc_end0:
.L_simem_size_0:
called_computation.2_lowered:
.L_overlay_start_0:
0x88: {  	s2 =	sld [smem:$0x3FD9]  }
0x89: {  	s3 =	sld [smem:$0x3FFE];
	_ =	sdelay $0x1  }
0x8a: {  	s1 =	srdreg.scid  }
0x8b: {  	s0 =	sand.u32 $0x1, s1  }
0x8c: {  	s14 =	sshll.u32 s0, $0xA;
	s2 =	sadd.s32 s3, s2  }
0x8d: {  	s2 =	sadd.s32 s2, s14  }
0x8e: {  	[smem:$0x3FC2] =	sst s2  }
0x8f: {  	_ = 	snop  }
0x90: {  	s2 =	sld [smem:$0x3FD0];
	_ =	sdelay $0x2  }
0x91: {  	s15 =	simm.s32 $0xA;
	s4 =	simm.s32 $0x10  }
0x92: {  	[smem:s4], [sflag:s15] =	dma.local [hbm:s2], $0x1  }
0x93: {  	_ =	swait.eq [sflag:s15], $0x1  }
0x94: {  	[sflag:s15] =	ssyncset.done $0x0  }
0x95: {  	s16 =	sld [smem:$0x10];
	[sflag:s15] =	ssyncadd.s32 $0xFFFFFFFF  }
0x96: {  	s17 =	sld [smem:$0x11];
	(tm) =	ssettm $0x1  }
0x97: {  	s18 =	sld [smem:$0x3FFB];
	_ =	sdelay $0x3  }
0x98: {  	_ =	strace s18  }
0x99: {  	s4 =	sld [smem:$0x3FFC];
	_ =	sdelay $0x3  }
0x9a: {  	_ =	strace s4  }
0x9b: {  	s4 =	sld [smem:$0x3FFD];
	_ =	sdelay $0x3  }
0x9c: {  	_ =	strace s4  }
0x9d: {  	_ =	strace $0x8FFFFFFF  }
0x9e: {  	s19 =	sld [smem:$0x3FDB];
	_ =	sdelay $0x1  }
0x9f: {  	s5 =	simm.s32 $_scs_section_size  }
0xa0: {  	s6 =	simm.s32 $_size__tile_overlayer_lowered;
	s7 =	simm.s32 $_tile_overlayer_lowered  }
0xa1: {  	s22 =	simm.s32 $0x1BFF;
	s21 =	sshll.u32 s7, $0x1;
	s4 =	sadd.s32 s5, s19  }
0xa2: {  	s8 =	simm.s32 $0x0;
	s20 =	sshll.u32 s6, $0x1;
	s6 =	sadd.s32 s21, s4  }
0xa3: {  	[timem:s8], [sflag:s22] =	dma.local [hbm:s6], s20  }
0xa4: {  	_ =	swait.ge [sflag:s22], s20  }
0xa5: {  	s5 =	ssub.s32 $0x0, s20;
	[sflag:s22] =	ssyncset.done $0x0  }
0xa6: {  	[sflag:s22] =	ssyncadd.s32 s5;
	_ =	sdelay $0x1  }
0xa7: {  	s23 =	simm.s32 $0x1B8B  }
0xa8: {  	_ =	swait.ge [sflag:s23], $0x1  }
0xa9: {  	[sflag:s23] =	ssyncset.done $0x0  }
0xaa: {  	s25 =	simm.s32 $0x1B8E;
	s24 =	sld [smem:$0x3FFE];
	[sflag:s23] =	ssyncadd.s32 $0xFFFFFFFF  }
0xab: {  	s26 =	simm.s32 $execute0_lowered;
	[smem:$0x3FD2] =	sst s25  }
0xac: {  	s6 =	sshll.u32 s26, $0x1;
	_ =	strace $0x8000004C;
	[dreg:$0x1] =	wrdreg $0xFFFFFFFF  }
0xad: {  	s28 =	simm.s32 $_size_execute0_lowered;
	s4 =	sadd.s32 s4, s6;
	[dreg:$0x0] =	wrdreg $0x0  }
0xae: {  	s6 =	sshll.u32 s28, $0x1;
	[dreg:$0x2] =	wrdreg s4  }
0xaf: {  	[dreg:$0x3] =	wrdreg s6  }
0xb0: {  	[dreg:$0x4] =	wrdreg $0xC0  }
0xb1: {  	_ =	task [dreg:s8], $0x5FFFF  }
0xb2: {  	[dreg:$0x1] =	wrdreg $0xFFFFFFFF  }
0xb3: {  	[dreg:$0x0] =	wrdreg $0x60  }
0xb4: {  	[dreg:$0x2] =	wrdreg s17  }
0xb5: {  	[dreg:$0x3] =	wrdreg s24  }
0xb6: {  	[dreg:$0x4] =	wrdreg s16  }
0xb7: {  	[dreg:$0x5] =	wrdreg $0x69000  }
0xb8: {  	[dreg:$0x6] =	wrdreg $0x9  }
0xb9: {  	_ =	task.clear_ibuf [dreg:s8], $0x7FFFF;
	_ =	strace $0x9000004C  }
0xba: {  	s29 =	simm.s32 $0x9;
	_ =	strace $0x8000004E  }
0xbb: {  	_ =	swait.ge [sflag:s29], $0x1  }
0xbc: {  	[sflag:s29] =	ssyncadd.s32 $0xFFFFFFFF  }
0xbd: {  	_ =	strace $0x9000004E  }
0xbe: {  	_ =	sfence  }
0xbf: {  	s30 =	sld [smem:$0x0];
	_ =	sdelay $0x2  }
0xc0: {  	s31 =	sshll.u32 s1, $0xD;
	s1 =	sshrl.u32 s1, $0x2  }
0xc1: {  	s3 =	sand.u32 $0x4000, s31;
	s1 =	sadd.s32 s1, s30  }
0xc2: {  	s0 =	sor.u32 s3, s0;
	s1 =	sshll.u32 s1, $0x11  }
0xc3: {  	s0 =	sor.u32 s1, s0  }
0xc4: {  	s0 =	sadd.s32 $0x8F2B, s0  }
0xc5: {  	[sflag:s0] =	ssyncadd.remote.s32 $0x1  }
0xc6: {  	_ =	sfence.sel $0xFFFF  }
0xc7: {  	[dreg:$0x0] =	wrdreg $0xFFFFFFFF;
	(pc) =	sbr.abs _section_cstart, $3  }
0xc8: {  	[dreg:$0x1] =	wrdreg $0xFFFFFFFF  }
0xc9: {  	_ =	task.clear_ibuf [dreg:s8], $0x2FFFF;
	_ =	strace $0x9FFFFFFF  }
0xca: {  	(tm) =	ssettm $0x7FFFFFFF  }
0xcb: {  	_ =	shalt  }
tec
execute0_lowered:
.L_overlay_start_1:
0x0: {  	(tag) =	ssettag $0x1  }
0x1: {  	s0 =	rddreg [dreg:$0x0]  }
0x2: {  	s1 =	rddreg [dreg:$0x1]  }
0x3: {  	s2 =	srdreg.scid;
	s4 =	rddreg [dreg:$0x3]  }
0x4: {  	s3 =	stileid.u32;
	s5 =	simm.s32 $0x0;
	s12 =	simm.s32 $0x7  }
0x5: {  	s13 =	simm.s32 $0x2880;
	s14 =	simm.s32 $0x80;
	s15 =	simm.s32 $0x5100  }
0x6: {  	s16 =	simm.s32 $0x5900;
	s17 =	simm.s32 $0x1;
	s18 =	simm.s32 $0x100  }
0x7: {  	s19 =	simm.s32 $0x6100;
	s20 =	simm.s32 $0x2;
	s21 =	simm.s32 $0x2900  }
0x8: {  	s22 =	simm.s32 $0x4;
	s23 =	simm.s32 $0x180;
	s24 =	simm.s32 $0x3  }
0x9: {  	s28 =	simm.s32 $0x200;
	s29 =	simm.s32 $0x6;
	s30 =	simm.s32 $0x0  }
0xa: {  	s2 =	sand.u32 $0x1, s2;
	s7 =	smul.u32 $0x5000, s3;
	[smem:$0x7FF] =	sst s5  }
0xb: {  	s31 =	sshll.u32 s3, $0x6;
	s6 =	sshll.u32 s2, $0x4;
	s8 =	smul.u32 $0x50000, s2  }
0xc: {  	_ =	strace $0x8000004D;
	s2 =	ssub.s32 $0x2, s2;
	s6 =	sor.u32 s3, s6  }
0xd: {  	s26 =	sshrl.u32 s2, $0x1;
	s6 =	smul.u32 $0x510, s6;
	s8 =	sadd.s32 s7, s8  }
.Ltmp0:
0xe: {  	s7 =	sshrl.u32 s7, $0x1;
	s2 =	ssub.s32 s2, s26;
	(pc) =	sbr.rel .LBB2_1-.Ltmp0, $4  }
0xf: {  	s26 =	simm.s32 $0x5;
	s25 =	sshrl.u32 s8, $0x4;
	s11 =	sadd.s32 s7, s4  }
0x10: {  	s10 =	smax.u32 s2, $0x1;
	s9 =	sadd.s32 s6, s1;
	s1 =	sadd.s32 s25, s1  }
0x11: {  	s6 =	sor.u32 $0x1C07, s31;
	s11 =	sshrl.u32 s11, $0x3;
	s25 =	simm.s32 $0x2980  }
0x12: {  	s7 =	sadd.s32 $0x15E00, s9;
	s8 =	sadd.s32 $0x1A00, s9;
	s9 =	sadd.s32 $0xBC00, s1  }
.LBB2_4:
0x13: {  	_ =	swait.ge [sflag:s24], $0x800  }
0x14: {  	[sflag:s24] =	ssyncset.done $0x0  }
0x15: {  	[sflag:s24] =	ssyncadd.s32 $0xFFFFF800  }
0x16: {  	[spmem:s4] =	stream.indirect.scatter.add.bf16 [tilespmem:s19], [sflag:$0x6], $0x10, s2, s14, $0xb8;
	[tilespmem:$0x9100] =	vst v63  }
0x17: {  	_ =	swait.ge [sflag:s26], $0x800  }
0x18: {  	[sflag:s26] =	ssyncset.done $0x0  }
0x19: {  	[sflag:s26] =	ssyncadd.s32 $0xFFFFF800  }
0x1a: {  	_ =	swait.ge [sflag:s29], $0x800  }
0x1b: {  	s30 =	sadd.s32 $0x1, s30;
	[sflag:s29] =	ssyncset.done $0x0  }
0x1c: {  	p0 =	sne.s32 s30, s10;
	[sflag:s29] =	ssyncadd.s32 $0xFFFFF800  }
.Ltmp1:
0x1d: {  	[bflag:$0x0] =	sbarrier.arrive $0xFFFF;
	(pc) =	sbr.rel @!p0 .LBB2_5-.Ltmp1, $4  }
0x1e: {  	[hbm:s9], [sflag:s6] =	dma.local [spmem:s11], $0x500  }
0x1f: {  	_ =	swait.ge [sflag:s12], $0x500  }
0x20: {  	[sflag:s12] =	ssyncset.done $0x0  }
0x21: {  	[sflag:s12] =	ssyncadd.s32 $0xFFFFFB00  }
.LBB2_1:
0x22: {  	s1 =	rddreg [dreg:$0x2]  }
0x23: {  	[spmem:s11], [sflag:s6] =	dma.local [hbm:s1], $0x500  }
0x24: {  	_ =	swait.ge [sflag:s12], $0x500  }
0x25: {  	[sflag:s12] =	ssyncset.done $0x0  }
0x26: {  	[sflag:s12] =	ssyncadd.s32 $0xFFFFFB00  }
0x27: {  	[tilespmem:s5], [sflag:$0x7] =	stream.linear.gather [hbm4b:s7+s5], $0x2880, $0x38;
	[tilespmem:$0x9100] =	vst v63  }
0x28: {  	_ =	swait.ge [sflag:s12], $0x2880  }
0x29: {  	[sflag:s12] =	ssyncset.done $0x0  }
0x2a: {  	[sflag:s12] =	ssyncadd.s32 $0xFFFFD780  }
0x2b: {  	[tilespmem:s13], [sflag:$0x7] =	stream.linear.gather [hbm4b:s8+s5], $0x2880, $0x38;
	[tilespmem:$0x9100] =	vst v63  }
0x2c: {  	_ =	swait.ge [sflag:s12], $0x2880  }
0x2d: {  	[sflag:s12] =	ssyncset.done $0x0  }
0x2e: {  	[sflag:s12] =	ssyncadd.s32 $0xFFFFD780  }
0x2f: {  	[bflag:$0x0] =	sbarrier.arrive $0xFFFF  }
0x30: {  	[tilespmem:s15], [sflag:$0x1] =	stream.indirect.gather [hbm4b:s0+s14], $0x10, s5, s14, $0xb8;
	[tilespmem:$0x9100] =	vst v63  }
0x31: {  	_ = 	snop  }
0x32: {  	[tilespmem:s16], [sflag:$0x2] =	stream.indirect.gather [hbm4b:s0+s14], $0x10, s14, s14, $0xb8;
	[tilespmem:$0x9100] =	vst v63  }
0x33: {  	_ =	swait.ge [sflag:s17], $0x800  }
0x34: {  	[sflag:s17] =	ssyncset.done $0x0  }
0x35: {  	[sflag:s17] =	ssyncadd.s32 $0xFFFFF800  }
0x36: {  	[spmem:s4] =	stream.indirect.scatter.add.bf16 [tilespmem:s15], [sflag:$0x4], $0x10, s13, s14, $0xb8;
	[tilespmem:$0x9100] =	vst v63  }
0x37: {  	_ = 	snop  }
0x38: {  	[tilespmem:s19], [sflag:$0x3] =	stream.indirect.gather [hbm4b:s0+s14], $0x10, s18, s14, $0xb8;
	[tilespmem:$0x9100] =	vst v63  }
0x39: {  	_ =	swait.ge [sflag:s20], $0x800  }
0x3a: {  	[sflag:s20] =	ssyncset.done $0x0  }
0x3b: {  	[sflag:s20] =	ssyncadd.s32 $0xFFFFF800  }
0x3c: {  	[spmem:s4] =	stream.indirect.scatter.add.bf16 [tilespmem:s16], [sflag:$0x5], $0x10, s21, s14, $0xb8;
	[tilespmem:$0x9100] =	vst v63  }
0x3d: {  	_ =	swait.ge [sflag:s22], $0x800  }
0x3e: {  	[sflag:s22] =	ssyncset.done $0x0  }
0x3f: {  	[sflag:s22] =	ssyncadd.s32 $0xFFFFF800  }
0x40: {  	[tilespmem:s15], [sflag:$0x1] =	stream.indirect.gather [hbm4b:s0+s14], $0x10, s23, s14, $0xb8;
	[tilespmem:$0x9100] =	vst v63  }
0x41: {  	_ =	swait.ge [sflag:s24], $0x800  }
0x42: {  	[sflag:s24] =	ssyncset.done $0x0  }
0x43: {  	[sflag:s24] =	ssyncadd.s32 $0xFFFFF800  }
0x44: {  	[spmem:s4] =	stream.indirect.scatter.add.bf16 [tilespmem:s19], [sflag:$0x6], $0x10, s25, s14, $0xb8;
	[tilespmem:$0x9100] =	vst v63  }
0x45: {  	_ =	swait.ge [sflag:s26], $0x800  }
0x46: {  	[sflag:s26] =	ssyncset.done $0x0  }
0x47: {  	s31 =	simm.s32 $0x0;
	[sflag:s26] =	ssyncadd.s32 $0xFFFFF800  }
0x48: {  	[tilespmem:s16], [sflag:$0x2] =	stream.indirect.gather [hbm4b:s0+s14], $0x10, s28, s14, $0xb8;
	[tilespmem:$0x9100] =	vst v63  }
.LBB2_2:
0x49: {  	_ =	swait.ge [sflag:s17], $0x800  }
0x4a: {  	s1 =	sshra.s32 s31, $0x2;
	[sflag:s17] =	ssyncset.done $0x0  }
0x4b: {  	s2 =	sadd.s32 $0x2A00, s1;
	[sflag:s17] =	ssyncadd.s32 $0xFFFFF800  }
0x4c: {  	[spmem:s4] =	stream.indirect.scatter.add.bf16 [tilespmem:s15], [sflag:$0x4], $0x10, s2, s14, $0xb8;
	[tilespmem:$0x9100] =	vst v63  }
0x4d: {  	_ =	swait.ge [sflag:s29], $0x800  }
0x4e: {  	[sflag:s29] =	ssyncset.done $0x0  }
0x4f: {  	s3 =	sadd.s32 $0x280, s1;
	[sflag:s29] =	ssyncadd.s32 $0xFFFFF800  }
0x50: {  	[tilespmem:s19], [sflag:$0x3] =	stream.indirect.gather [hbm4b:s0+s14], $0x10, s3, s14, $0xb8;
	[tilespmem:$0x9100] =	vst v63  }
0x51: {  	_ =	swait.ge [sflag:s20], $0x800  }
0x52: {  	p0 =	seq.s32 s31, $0x9600;
	[sflag:s20] =	ssyncset.done $0x0  }
.Ltmp2:
0x53: {  	s3 =	sadd.s32 $0x2A80, s1;
	[sflag:s20] =	ssyncadd.s32 $0xFFFFF800;
	(pc) =	sbr.rel @p0 .LBB2_4-.Ltmp2, $4  }
0x54: {  	[spmem:s4] =	stream.indirect.scatter.add.bf16 [tilespmem:s16], [sflag:$0x5], $0x10, s3, s14, $0xb8;
	[tilespmem:$0x9100] =	vst v63  }
0x55: {  	_ =	swait.ge [sflag:s22], $0x800  }
0x56: {  	[sflag:s22] =	ssyncset.done $0x0  }
0x57: {  	s2 =	sadd.s32 $0x2B00, s1;
	[sflag:s22] =	ssyncadd.s32 $0xFFFFF800  }
0x58: {  	s3 =	sadd.s32 $0x300, s1  }
0x59: {  	[tilespmem:s15], [sflag:$0x1] =	stream.indirect.gather [hbm4b:s0+s14], $0x10, s3, s14, $0xb8;
	[tilespmem:$0x9100] =	vst v63  }
0x5a: {  	_ =	swait.ge [sflag:s24], $0x800  }
0x5b: {  	[sflag:s24] =	ssyncset.done $0x0  }
0x5c: {  	[sflag:s24] =	ssyncadd.s32 $0xFFFFF800  }
0x5d: {  	[spmem:s4] =	stream.indirect.scatter.add.bf16 [tilespmem:s19], [sflag:$0x6], $0x10, s2, s14, $0xb8;
	[tilespmem:$0x9100] =	vst v63  }
.Ltmp3:
0x5e: {  	_ = 	snop;
	(pc) =	sbr.rel .LBB2_2-.Ltmp3, $4  }
0x5f: {  	_ =	swait.ge [sflag:s26], $0x800  }
0x60: {  	[sflag:s26] =	ssyncset.done $0x0  }
0x61: {  	s31 =	sadd.s32 $0x600, s31;
	s3 =	sadd.s32 $0x380, s1;
	[sflag:s26] =	ssyncadd.s32 $0xFFFFF800  }
0x62: {  	[tilespmem:s16], [sflag:$0x2] =	stream.indirect.gather [hbm4b:s0+s14], $0x10, s3, s14, $0xb8;
	[tilespmem:$0x9100] =	vst v63  }
.LBB2_5:
0x63: {  	_ =	sfence.sel $0x180000  }
0x64: {  	[bflag:$0x0] =	sbarrier.arrive $0xFFFF  }
0x65: {  	_ =	strace $0x9000004D  }
0x66: {  	s0 =	stileid.u32;
	[bflag:$0x2] =	sbarrier.arrive $0xFFFF  }
0x67: {  	p0 =	sne.s32 s0, $0x0;
	s0 =	rddreg [dreg:$0x4]  }
0x68: {  	s0 =	sadd.s32 @!p0 $0x100000, s0  }
0x69: {  	[sflag:s0] =	ssyncadd.tile.s32 @!p0 $0x1;
	_ =	shalt  }
.Lfunc_end2:
_tile_overlayer_lowered:
.L_overlay_start_2:
0x6a: {  	(tag) =	ssettag $0x2  }
0x6b: {  	s0 =	rddreg [dreg:$0x0];
	s2 =	stileid.u32  }
0x6c: {  	s1 =	rddreg [dreg:$0x1];
	p0 =	sne.s32 s2, $0x0  }
0x6d: {  	s3 =	rddreg [dreg:$0x2];
	[bflag:$0x3] =	sbarrier.arrive $0xFFFF;
	s2 =	simm.s32 @!p0 $0x1C07  }
0x6e: {  	[timem:s3], [sflag:s2] =	dma.local @!p0 [hbm:s0], s1  }
0x6f: {  	s0 =	simm.s32 @!p0 $0x7  }
0x70: {  	_ =	swait.ge @!p0 [sflag:s0], s1  }
0x71: {  	s1 =	ssub.s32 @!p0 $0x0, s1;
	[sflag:s0] =	ssyncset.done @!p0 $0x0  }
0x72: {  	[sflag:s0] =	ssyncadd.s32 @!p0 s1  }
0x73: {  	[bflag:$0x3] =	sbarrier.arrive $0xFFFF  }
0x74: {  	_ =	shalt  }

// kernel: kernel.8.cloned.1.call-start
scs
__scs_entry_jumppad:
0x0: {  	(pc) =	sbr.rel $0x88, $3  }
0x1: {  	(tag) =	ssettag $0x0;
	lr =	simm.s32 $0x1  }
0x2: {  	[smem:$0x3F9B] =	sst lr;
	_ =	strace $0xD0000000  }
0x3: {  	_ = 	snop  }
0x4: {  	_ = 	snop  }
0x5: {  	_ = 	snop  }
0x6: {  	_ = 	snop  }
0x7: {  	_ = 	snop  }
__scs_overlays_trampoline_lowered:
0x8: {  	[smem:$0x3FAA] =	sst s0  }
0x9: {  	[smem:$0x3FAB] =	sst s1  }
0xa: {  	[smem:$0x3FAC] =	sst s2  }
0xb: {  	[smem:$0x3FAD] =	sst s3  }
0xc: {  	[smem:$0x3FAE] =	sst s4  }
0xd: {  	[smem:$0x3FAF] =	sst s5  }
0xe: {  	[smem:$0x3FB0] =	sst s6  }
0xf: {  	[smem:$0x3FB1] =	sst s7  }
0x10: {  	[smem:$0x3FB2] =	sst s8  }
0x11: {  	[smem:$0x3FB3] =	sst s9;
	s0 =	simm.s32 @!p0 $0x0  }
0x12: {  	s1 =	sld [smem:$0x3F99];
	s0 =	simm.s32 @p0 $0x1  }
0x13: {  	[smem:$0x3FB4] =	sst s0;
	s0 =	simm.s32 @!p1 $0x0  }
0x14: {  	s2 =	sld [smem:$0x3F98];
	s0 =	simm.s32 @p1 $0x1  }
0x15: {  	[smem:$0x3FB5] =	sst s0;
	s0 =	simm.s32 @!p2 $0x0  }
0x16: {  	s3 =	sld [smem:$0x3FDB];
	s0 =	simm.s32 @p2 $0x1  }
0x17: {  	s4 =	simm.s32 $0x1BF5;
	[smem:$0x3FB7] =	sst s0  }
0x18: {  	s0 =	sld [smem:$0x3F9A];
	_ =	swait.ge [sflag:s4], $0x0  }
0x19: {  	s7 =	sld [smem:$0x3F9B]  }
0x1a: {  	s8 =	sadd.s32 $0xFFFFE003, lr  }
0x1b: {  	s9 =	sadd.s32 $0xFFFFFEF7, lr;
	s5 =	simm.s32 $0xFFFFFFFF;
	p2 =	slt.u32 s8, $0xFFFFF086  }
0x1c: {  	p1 =	slt.u32 s9, $0xF7A;
	s5 =	simm.s32 @!p2 $0x0  }
0x1d: {  	s5 =	simm.s32 @p1 $0x1;
	p0 =	seq.s32 s7, s2  }
0x1e: {  	s7 =	smul.u32 @!p0 $0xF7A, s2;
	p2 =	seq.s32 @!p0 s5, $0x0  }
0x1f: {  	s9 =	smul.u32 $0xF7A, s1;
	s8 =	simm.s32 @!p0 $0x1BF5;
	p2 =	por !p2, p0  }
0x20: {  	[sflag:s8] =	ssyncset.s32 @!p0 $0xFFFFF086;
	s6 =	sadd.s32 @!p0 s3, s7;
	s7 =	simm.s32 @!p0 $0x108  }
0x21: {  	s3 =	sadd.s32 s3, s9;
	s6 =	sadd.s32 @!p0 $0x88, s6;
	s7 =	simm.s32 @p2 $0x1082  }
0x22: {  	[simem:s7], [sflag:s8] =	dma.local @!p0 [hbm:s6], $0xF7A  }
0x23: {  	s9 =	sor.u32 $0xD0000000, s2;
	s6 =	simm.s32 $0x108;
	_ =	swait.ge @!p0 [sflag:s8], $0x0  }
0x24: {  	s3 =	sadd.s32 $0x88, s3;
	s6 =	simm.s32 @!p1 $0x1082;
	[sflag:s4] =	ssyncset.s32 $0xFFFFF086  }
0x25: {  	[simem:s6], [sflag:s4] =	dma.local [hbm:s3], $0xF7A  }
0x26: {  	[smem:$0x3F9B] =	sst s1;
	(tag) =	ssettag s2;
	_ =	strace s9  }
0x27: {  	s1 =	sld [smem:$0x3FAB]  }
0x28: {  	s2 =	sld [smem:$0x3FAC]  }
0x29: {  	s4 =	sld [smem:$0x3FAE]  }
0x2a: {  	p0 =	seq.s32 s5, $0x0;
	s5 =	sld [smem:$0x3FAF]  }
0x2b: {  	s6 =	sld [smem:$0x3FB0]  }
0x2c: {  	s7 =	sld [smem:$0x3FB1]  }
0x2d: {  	s3 =	simm.s32 $0x108;
	s8 =	sld [smem:$0x3FB2]  }
0x2e: {  	s3 =	simm.s32 @!p0 $0x1082;
	s9 =	sld [smem:$0x3FB3]  }
0x2f: {  	lr =	sadd.s32 s0, s3;
	s0 =	sld [smem:$0x3FAA]  }
0x30: {  	s3 =	sld [smem:$0x3FAD]  }
0x31: {  	[smem:$0x3FB6] =	sst s10  }
0x32: {  	s10 =	sld [smem:$0x3FB4];
	_ =	sdelay $0x3  }
0x33: {  	p0 =	seq.s32 s10, $0x1;
	s10 =	sld [smem:$0x3FB6];
	_ =	sdelay $0x3  }
0x34: {  	[smem:$0x3FB6] =	sst s10  }
0x35: {  	s10 =	sld [smem:$0x3FB5];
	_ =	sdelay $0x3  }
0x36: {  	p1 =	seq.s32 s10, $0x1;
	s10 =	sld [smem:$0x3FB6];
	_ =	sdelay $0x3  }
0x37: {  	[smem:$0x3FB6] =	sst s10  }
0x38: {  	s10 =	sld [smem:$0x3FB7]  }
0x39: {  	_ = 	snop;
	(pc) =	sbr.ind lr, $3  }
0x3a: {  	_ = 	snop  }
0x3b: {  	_ = 	snop  }
0x3c: {  	p2 =	seq.s32 s10, $0x1;
	s10 =	sld [smem:$0x3FB6]  }
0x3d: {  	_ =	shalt  }
0x3e: {  	_ =	shalt  }
0x3f: {  	_ =	shalt  }
0x40: {  	_ =	shalt  }
0x41: {  	_ =	shalt  }
0x42: {  	_ =	shalt  }
0x43: {  	_ =	shalt  }
0x44: {  	_ =	shalt  }
0x45: {  	_ =	shalt  }
0x46: {  	_ =	shalt  }
0x47: {  	_ =	shalt  }
0x48: {  	_ =	shalt  }
0x49: {  	_ =	shalt  }
0x4a: {  	_ =	shalt  }
0x4b: {  	_ =	shalt  }
0x4c: {  	_ =	shalt  }
0x4d: {  	_ =	shalt  }
0x4e: {  	_ =	shalt  }
0x4f: {  	_ =	shalt  }
0x50: {  	_ =	shalt  }
0x51: {  	_ =	shalt  }
0x52: {  	_ =	shalt  }
0x53: {  	_ =	shalt  }
0x54: {  	_ =	shalt  }
0x55: {  	_ =	shalt  }
0x56: {  	_ =	shalt  }
0x57: {  	_ =	shalt  }
0x58: {  	_ =	shalt  }
0x59: {  	_ =	shalt  }
0x5a: {  	_ =	shalt  }
0x5b: {  	_ =	shalt  }
0x5c: {  	_ =	shalt  }
0x5d: {  	_ =	shalt  }
0x5e: {  	_ =	shalt  }
0x5f: {  	_ =	shalt  }
0x60: {  	_ =	shalt  }
0x61: {  	_ =	shalt  }
0x62: {  	_ =	shalt  }
0x63: {  	_ =	shalt  }
0x64: {  	_ =	shalt  }
0x65: {  	_ =	shalt  }
0x66: {  	_ =	shalt  }
0x67: {  	_ =	shalt  }
0x68: {  	_ =	shalt  }
0x69: {  	_ =	shalt  }
0x6a: {  	_ =	shalt  }
0x6b: {  	_ =	shalt  }
0x6c: {  	_ =	shalt  }
0x6d: {  	_ =	shalt  }
0x6e: {  	_ =	shalt  }
0x6f: {  	_ =	shalt  }
0x70: {  	_ =	shalt  }
0x71: {  	_ =	shalt  }
0x72: {  	_ =	shalt  }
0x73: {  	_ =	shalt  }
0x74: {  	_ =	shalt  }
0x75: {  	_ =	shalt  }
0x76: {  	_ =	shalt  }
0x77: {  	_ =	shalt  }
0x78: {  	_ =	shalt  }
0x79: {  	_ =	shalt  }
0x7a: {  	_ =	shalt  }
0x7b: {  	_ =	shalt  }
0x7c: {  	_ =	shalt  }
0x7d: {  	_ =	shalt  }
0x7e: {  	_ =	shalt  }
0x7f: {  	_ =	shalt  }
0x80: {  	_ =	shalt  }
0x81: {  	_ =	shalt  }
0x82: {  	_ =	shalt  }
0x83: {  	_ =	shalt  }
0x84: {  	_ =	shalt  }
0x85: {  	_ =	shalt  }
0x86: {  	_ =	shalt  }
0x87: {  	_ =	shalt  }
.Lfunc_end0:
.L_simem_size_0:
called_computation_lowered:
.L_overlay_start_0:
0x88: {  	s2 =	sld [smem:$0x3FD9]  }
0x89: {  	s3 =	sld [smem:$0x3FFE];
	_ =	sdelay $0x1  }
0x8a: {  	s1 =	srdreg.scid  }
0x8b: {  	s0 =	sand.u32 $0x1, s1  }
0x8c: {  	s14 =	sshll.u32 s0, $0xA;
	s2 =	sadd.s32 s3, s2  }
0x8d: {  	s2 =	sadd.s32 s2, s14  }
0x8e: {  	[smem:$0x3FC2] =	sst s2  }
0x8f: {  	_ = 	snop  }
0x90: {  	s2 =	sld [smem:$0x3FD0];
	_ =	sdelay $0x2  }
0x91: {  	s15 =	simm.s32 $0xA;
	s4 =	simm.s32 $0x10  }
0x92: {  	[smem:s4], [sflag:s15] =	dma.local [hbm:s2], $0x1  }
0x93: {  	_ =	swait.eq [sflag:s15], $0x1  }
0x94: {  	[sflag:s15] =	ssyncset.done $0x0  }
0x95: {  	[sflag:s15] =	ssyncadd.s32 $0xFFFFFFFF  }
0x96: {  	s16 =	sld [smem:$0x10];
	(tm) =	ssettm $0x1  }
0x97: {  	s17 =	sld [smem:$0x3FFB];
	_ =	sdelay $0x3  }
0x98: {  	_ =	strace s17  }
0x99: {  	s3 =	sld [smem:$0x3FFC];
	_ =	sdelay $0x3  }
0x9a: {  	_ =	strace s3  }
0x9b: {  	s3 =	sld [smem:$0x3FFD];
	_ =	sdelay $0x3  }
0x9c: {  	_ =	strace s3  }
0x9d: {  	_ =	strace $0x8FFFFFFF  }
0x9e: {  	s18 =	sld [smem:$0x3FDB];
	_ =	sdelay $0x1  }
0x9f: {  	s19 =	simm.s32 $_scs_section_size  }
0xa0: {  	s5 =	simm.s32 $_size__tile_overlayer_lowered;
	s6 =	simm.s32 $_tile_overlayer_lowered  }
0xa1: {  	s22 =	simm.s32 $0x1BFF;
	s21 =	sshll.u32 s6, $0x1;
	s3 =	sadd.s32 s19, s18  }
0xa2: {  	s7 =	simm.s32 $0x0;
	s20 =	sshll.u32 s5, $0x1;
	s5 =	sadd.s32 s21, s3  }
0xa3: {  	[timem:s7], [sflag:s22] =	dma.local [hbm:s5], s20  }
0xa4: {  	_ =	swait.ge [sflag:s22], s20  }
0xa5: {  	s4 =	ssub.s32 $0x0, s20;
	[sflag:s22] =	ssyncset.done $0x0  }
0xa6: {  	[sflag:s22] =	ssyncadd.s32 s4;
	_ =	sdelay $0x1  }
0xa7: {  	s23 =	simm.s32 $0x1B8B  }
0xa8: {  	_ =	swait.ge [sflag:s23], $0x1  }
0xa9: {  	[sflag:s23] =	ssyncset.done $0x0  }
0xaa: {  	s25 =	simm.s32 $0x1B8E;
	s24 =	sld [smem:$0x3FFE];
	[sflag:s23] =	ssyncadd.s32 $0xFFFFFFFF  }
0xab: {  	s26 =	simm.s32 $execute0_lowered;
	[smem:$0x3FD2] =	sst s25  }
0xac: {  	s5 =	sshll.u32 s26, $0x1;
	_ =	strace $0x80000046;
	[dreg:$0x1] =	wrdreg $0xFFFFFFFF  }
0xad: {  	s28 =	simm.s32 $_size_execute0_lowered;
	s3 =	sadd.s32 s3, s5;
	[dreg:$0x0] =	wrdreg $0x0  }
0xae: {  	s5 =	sshll.u32 s28, $0x1;
	[dreg:$0x2] =	wrdreg s3  }
0xaf: {  	[dreg:$0x3] =	wrdreg s5  }
0xb0: {  	[dreg:$0x4] =	wrdreg $0xC0  }
0xb1: {  	_ =	task [dreg:s7], $0x5FFFF  }
0xb2: {  	[dreg:$0x1] =	wrdreg $0xFFFFFFFF  }
0xb3: {  	[dreg:$0x0] =	wrdreg $0x60  }
0xb4: {  	[dreg:$0x2] =	wrdreg s24  }
0xb5: {  	[dreg:$0x3] =	wrdreg s16  }
0xb6: {  	[dreg:$0x4] =	wrdreg $0x30800  }
0xb7: {  	[dreg:$0x5] =	wrdreg $0x9  }
0xb8: {  	_ =	task.clear_ibuf [dreg:s7], $0x6FFFF;
	_ =	strace $0x90000046  }
0xb9: {  	s29 =	simm.s32 $0x9;
	_ =	strace $0x80000048  }
0xba: {  	_ =	swait.ge [sflag:s29], $0x1  }
0xbb: {  	[sflag:s29] =	ssyncadd.s32 $0xFFFFFFFF  }
0xbc: {  	_ =	strace $0x90000048  }
0xbd: {  	_ =	sfence  }
0xbe: {  	s30 =	sld [smem:$0x0];
	_ =	sdelay $0x2  }
0xbf: {  	s31 =	sshll.u32 s1, $0xD;
	s1 =	sshrl.u32 s1, $0x2  }
0xc0: {  	s3 =	sand.u32 $0x4000, s31;
	s1 =	sadd.s32 s1, s30  }
0xc1: {  	s0 =	sor.u32 s3, s0;
	s1 =	sshll.u32 s1, $0x11  }
0xc2: {  	s0 =	sor.u32 s1, s0  }
0xc3: {  	s0 =	sadd.s32 $0x8F2B, s0  }
0xc4: {  	[sflag:s0] =	ssyncadd.remote.s32 $0x1  }
0xc5: {  	_ =	sfence.sel $0xFFFF  }
0xc6: {  	[dreg:$0x0] =	wrdreg $0xFFFFFFFF;
	(pc) =	sbr.abs _section_cstart, $3  }
0xc7: {  	[dreg:$0x1] =	wrdreg $0xFFFFFFFF  }
0xc8: {  	_ =	task.clear_ibuf [dreg:s7], $0x2FFFF;
	_ =	strace $0x9FFFFFFF  }
0xc9: {  	(tm) =	ssettm $0x7FFFFFFF  }
tec
execute0_lowered:
.L_overlay_start_1:
0x0: {  	(tag) =	ssettag $0x1  }
0x1: {  	s6 =	rddreg [dreg:$0x0]  }
0x2: {  	s2 =	rddreg [dreg:$0x1]  }
0x3: {  	s3 =	rddreg [dreg:$0x2];
	s4 =	srdreg.scid  }
0x4: {  	s1 =	stileid.u32;
	s0 =	rddreg [dreg:$0x3];
	s13 =	simm.s32 $0x80  }
0x5: {  	s14 =	simm.s32 $0x0;
	s7 =	sand.u32 $0x1, s4;
	s8 =	smul.u32 $0x2800, s1  }
0x6: {  	s4 =	simm.s32 $0x0;
	s31 =	sshll.u32 s1, $0x6;
	s5 =	sshll.u32 s7, $0x4  }
0x7: {  	s9 =	smul.u32 $0x28000, s7;
	[smem:$0x7FF] =	sst s4;
	s7 =	ssub.s32 $0x2, s7  }
0x8: {  	s5 =	sor.u32 s1, s5;
	_ =	strace $0x80000047;
	s30 =	sshrl.u32 s7, $0x1  }
0x9: {  	s12 =	sadd.s32 s8, s3;
	s10 =	smul.u32 $0x510, s5;
	s9 =	sadd.s32 s8, s9  }
0xa: {  	s5 =	sadd.s32 $0xBC00, s6;
	s11 =	ssub.s32 s7, s30;
	s9 =	sshrl.u32 s9, $0x3  }
0xb: {  	s10 =	sadd.s32 s10, s6;
	s9 =	sadd.s32 s9, s6;
	s6 =	sor.u32 $0x1C01, s31  }
0xc: {  	s7 =	sadd.s32 $0x1A00, s10;
	s8 =	sadd.s32 $0xBE00, s9;
	s9 =	smax.u32 s11, $0x1  }
0xd: {  	s10 =	sshrl.u32 s12, $0x3;
	s11 =	simm.s32 $0x1;
	s12 =	simm.s32 $0x2880  }
.LBB2_1:
0xe: {  	[spmem:s10], [sflag:s6] =	dma.local [hbm:s2], $0x500  }
0xf: {  	_ =	swait.ge [sflag:s11], $0x500  }
0x10: {  	[sflag:s11] =	ssyncset.done $0x0  }
0x11: {  	[sflag:s11] =	ssyncadd.s32 $0xFFFFFB00  }
0x12: {  	[tilespmem:s12], [sflag:$0x1] =	stream.linear.gather [hbm4b:s5+s4], $0x800, $0x38;
	[tilespmem:$0x5880] =	vst v63  }
0x13: {  	_ =	swait.ge [sflag:s11], $0x800  }
0x14: {  	[sflag:s11] =	ssyncset.done $0x0  }
0x15: {  	[sflag:s11] =	ssyncadd.s32 $0xFFFFF800  }
0x16: {  	[tilespmem:s4], [sflag:$0x1] =	stream.linear.gather [hbm4b:s7+s4], $0x2880, $0x38;
	[tilespmem:$0x5880] =	vst v63  }
0x17: {  	_ =	swait.ge [sflag:s11], $0x2880  }
0x18: {  	[sflag:s11] =	ssyncset.done $0x0  }
0x19: {  	[sflag:s11] =	ssyncadd.s32 $0xFFFFD780  }
0x1a: {  	s15 =	simm.s32 $0x0;
	[bflag:$0x0] =	sbarrier.arrive $0xFFFF  }
0x1b: {  	[spmem:s3] =	stream.indirect.scatter.add.f32 [tilespmem:s12], [sflag:$0x1], $0x10, s15, s13, $0xb8;
	[tilespmem:$0x5880] =	vst v63  }
0x1c: {  	_ =	swait.ge [sflag:s11], $0x800  }
0x1d: {  	s15 =	simm.s32 $0x200;
	[sflag:s11] =	ssyncset.done $0x0  }
.LBB2_2:
0x1e: {  	s16 =	sshra.s32 s15, $0x2;
	[sflag:s11] =	ssyncadd.s32 $0xFFFFF800;
	p0 =	sne.s32 s15, $0xA000  }
0x1f: {  	[spmem:s3] =	stream.indirect.scatter.add.f32 [tilespmem:s12], [sflag:$0x1], $0x10, s16, s13, $0xb8;
	[tilespmem:$0x5880] =	vst v63  }
.Ltmp0:
0x20: {  	_ = 	snop;
	(pc) =	sbr.rel @p0 .LBB2_2-.Ltmp0, $4  }
0x21: {  	_ = 	snop  }
0x22: {  	s15 =	sadd.s32 $0x200, s15  }
0x23: {  	_ =	swait.ge [sflag:s11], $0x800  }
0x24: {  	[sflag:s11] =	ssyncset.done $0x0  }
0x25: {  	s14 =	sadd.s32 $0x1, s14  }
0x26: {  	[sflag:s11] =	ssyncadd.s32 $0xFFFFF800;
	p0 =	sne.s32 s14, s9  }
.Ltmp1:
0x27: {  	[bflag:$0x0] =	sbarrier.arrive $0xFFFF;
	(pc) =	sbr.rel @p0 .LBB2_1-.Ltmp1, $4  }
0x28: {  	[hbm:s8], [sflag:s6] =	dma.local [spmem:s10], $0x500  }
0x29: {  	_ =	swait.ge [sflag:s11], $0x500  }
0x2a: {  	[sflag:s11] =	ssyncset.done $0x0  }
0x2b: {  	[sflag:s11] =	ssyncadd.s32 $0xFFFFFB00  }
0x2c: {  	_ =	sfence.sel $0x180000  }
0x2d: {  	[bflag:$0x0] =	sbarrier.arrive $0xFFFF  }
0x2e: {  	p0 =	sne.s32 s1, $0x0;
	_ =	strace $0x90000047  }
0x2f: {  	s0 =	sadd.s32 @!p0 $0x100000, s0;
	[bflag:$0x2] =	sbarrier.arrive $0xFFFF  }
0x30: {  	[sflag:s0] =	ssyncadd.tile.s32 @!p0 $0x1;
	_ =	shalt  }
.Lfunc_end2:
_tile_overlayer_lowered:
.L_overlay_start_2:
0x31: {  	(tag) =	ssettag $0x2  }
0x32: {  	s0 =	rddreg [dreg:$0x0];
	s2 =	stileid.u32  }
0x33: {  	s1 =	rddreg [dreg:$0x1];
	p0 =	sne.s32 s2, $0x0  }
0x34: {  	s3 =	rddreg [dreg:$0x2];
	[bflag:$0x3] =	sbarrier.arrive $0xFFFF;
	s2 =	simm.s32 @!p0 $0x1C01  }
0x35: {  	[timem:s3], [sflag:s2] =	dma.local @!p0 [hbm:s0], s1  }
0x36: {  	s0 =	simm.s32 @!p0 $0x1  }
0x37: {  	_ =	swait.ge @!p0 [sflag:s0], s1  }
0x38: {  	s1 =	ssub.s32 @!p0 $0x0, s1;
	[sflag:s0] =	ssyncset.done @!p0 $0x0  }
0x39: {  	[sflag:s0] =	ssyncadd.s32 @!p0 s1  }
0x3a: {  	[bflag:$0x3] =	sbarrier.arrive $0xFFFF  }
0x3b: {  	_ =	shalt  }

</sc_bundles>
